<compile_context>
chip_gen: v7x
topology: tpu7x:2x2x1
jax: 0.10.2.dev20260603
libtpu: 0.0.44.dev20260713+nightly
codegen_flags: <defaults>
</compile_context>

<pallas_src>
import functools

import jax
import jax.numpy as jnp
from jax import lax
from jax.experimental import pallas as pl
from jax.experimental.pallas import tpu as pltpu
from jax.experimental.pallas import tpu_sc as plsc

S = 4096
D = 1024
E = 8
DFF = 4096
CAP = 640
RPE = 656
NROWS = E * RPE
SENT = 648
TB = 512
LW = 128
NJ = 4
DFB = DFF // NJ
DP = D // 2

NW = 32
CH = 64
NCH = (S // NW) // CH
NBUF = 2

ROUTER_WEIGHT = 0.001
EXPERTS_WEIGHT = 0.01


def _pack_pair(lo_bf, hi_bf):
    lo = pltpu.bitcast(lo_bf, jnp.uint16).astype(jnp.uint32)
    hi = pltpu.bitcast(hi_bf, jnp.uint16).astype(jnp.uint32)
    return pltpu.bitcast(lo | (hi << 16), jnp.float32)


def _unpack_pair(x_f32):
    w = pltpu.bitcast(x_f32, jnp.uint32)
    lo = pltpu.bitcast((w & 0xFFFF).astype(jnp.uint16), jnp.bfloat16)
    hi = pltpu.bitcast((w >> 16).astype(jnp.uint16), jnp.bfloat16)
    return lo, hi


def _router_body(h_ref, gw_ref, dst_ref, loss_ref, hbf_ref, acc_ref):
    i = pl.program_id(0)
    nb = pl.num_programs(0)

    @pl.when(i == 0)
    def _():
        acc_ref[...] = jnp.zeros_like(acc_ref)

    h = h_ref[...]
    hbf_ref[...] = h.astype(jnp.bfloat16)
    logits = jnp.dot(h, gw_ref[...], preferred_element_type=jnp.float32)
    lane = lax.broadcasted_iota(jnp.int32, (TB, LW), 1)
    neg_inf = jnp.float32(-jnp.inf)
    logits = jnp.where(lane < E, logits, neg_inf)

    m1 = jnp.max(logits, axis=1, keepdims=True)
    i1 = jnp.min(jnp.where(logits == m1, lane, LW), axis=1, keepdims=True)
    l2 = jnp.where(lane == i1, neg_inf, logits)
    m2 = jnp.max(l2, axis=1, keepdims=True)
    i2 = jnp.min(jnp.where(l2 == m2, lane, LW), axis=1, keepdims=True)

    ex = jnp.exp(logits - m1)
    se = jnp.sum(ex, axis=1, keepdims=True)
    probs = ex / se
    lse = m1 + jnp.log(se)

    oh1 = (lane == i1).astype(jnp.float32)
    oh2 = (lane == i2).astype(jnp.float32)
    d_oh = oh1 + oh2

    r_i = lax.broadcasted_iota(jnp.int32, (TB, TB), 0)
    c_i = lax.broadcasted_iota(jnp.int32, (TB, TB), 1)
    tri = (r_i >= c_i).astype(jnp.float32)

    pos = jnp.dot(tri, d_oh, preferred_element_type=jnp.float32) + acc_ref[0:1, :]
    pos1 = jnp.sum(pos * oh1, axis=1, keepdims=True)
    pos2 = jnp.sum(pos * oh2, axis=1, keepdims=True)
    cand1 = jnp.where(pos1 <= CAP, i1, -1)
    cand2 = jnp.where(pos2 <= CAP, i2, -1)
    assigned = jnp.maximum(cand1, cand2)

    a_oh = (lane == assigned).astype(jnp.float32)
    spos = jnp.dot(tri, a_oh, preferred_element_type=jnp.float32) + acc_ref[1:2, :]
    slot = jnp.sum(spos * a_oh, axis=1, keepdims=True).astype(jnp.int32) - 1
    dst_ref[...] = jnp.where(assigned >= 0, assigned * RPE + slot, SENT)

    acc_ref[0:1, :] = acc_ref[0:1, :] + jnp.sum(d_oh, axis=0, keepdims=True)
    acc_ref[1:2, :] = acc_ref[1:2, :] + jnp.sum(a_oh, axis=0, keepdims=True)
    acc_ref[2:3, :] = acc_ref[2:3, :] + jnp.sum(probs, axis=0, keepdims=True)
    acc_ref[3:4, :] = acc_ref[3:4, :] + jnp.sum(lse * lse)

    @pl.when(i == nb - 1)
    def _():
        sf = jnp.float32(S)
        load = acc_ref[0:1, :] / sf
        imp = acc_ref[2:3, :] / sf
        bal = EXPERTS_WEIGHT * jnp.sum(load * imp)
        rl = ROUTER_WEIGHT * jnp.max(acc_ref[3:4, :]) / sf
        loss_ref[...] = jnp.reshape(rl + bal, (1, 1))


def _ffn_body(dst_ref, hbf_ref, w1_ref, b1_ref, w2_ref, b2_ref, y_ref,
              xe_ref, acc_ref):
    e = pl.program_id(0)
    j = pl.program_id(1)

    @pl.when(j == 0)
    def _():
        rows = lax.broadcasted_iota(jnp.int32, (S, RPE), 1) + e * RPE
        oneh = (dst_ref[...] == rows).astype(jnp.bfloat16)
        xe_ref[...] = lax.dot_general(
            oneh, hbf_ref[...], (((0,), (0,)), ((), ())),
            preferred_element_type=jnp.float32).astype(jnp.bfloat16)

    x = xe_ref[...]
    h1 = lax.dot_general(x, w1_ref[0].astype(jnp.bfloat16),
                         (((1,), (1,)), ((), ())),
                         preferred_element_type=jnp.float32)
    h1 = h1 + b1_ref[0]
    h1 = 0.5 * h1 * (1.0 + lax.erf(h1 * jnp.float32(0.7071067811865476)))
    contrib = lax.dot_general(h1.astype(jnp.bfloat16),
                              w2_ref[0].astype(jnp.bfloat16),
                              (((1,), (1,)), ((), ())),
                              preferred_element_type=jnp.float32)

    @pl.when(j == 0)
    def _():
        acc_ref[...] = contrib + b2_ref[0]

    @pl.when(j > 0)
    def _():
        acc_ref[...] = acc_ref[...] + contrib

    @pl.when(j == NJ - 1)
    def _():
        row = lax.broadcasted_iota(jnp.int32, (RPE, D), 0)
        yv = jnp.where(row < CAP, acc_ref[...], 0.0).astype(jnp.bfloat16)
        y_ref[0] = _pack_pair(yv[:, :DP], yv[:, DP:])


def _sc_wid():
    return lax.axis_index("s") * 2 + lax.axis_index("c")


def _combine_body(y_hbm, dst_hbm, o_hbm, idx_v, b0, b1, b2, s0, s1, s2,
                  t0, t1, t2):
    wid = _sc_wid()
    base = wid * (NCH * CH)
    bufs, gsems, wsems = (b0, b1, b2), (s0, s1, s2), (t0, t1, t2)
    pltpu.sync_copy(dst_hbm.at[wid], idx_v)
    gts, wrs = [None] * NCH, [None] * NCH
    for c in range(min(NBUF, NCH)):
        gts[c] = pltpu.async_copy(
            y_hbm.at[idx_v.at[c]], bufs[c], gsems[c])
    for c in range(NCH):
        gts[c].wait()
        wrs[c] = pltpu.async_copy(
            bufs[c % NBUF], o_hbm.at[pl.ds(base + c * CH, CH)],
            wsems[c % NBUF])
        n = c + NBUF
        if n < NCH:
            wrs[c].wait()
            gts[n] = pltpu.async_copy(
                y_hbm.at[idx_v.at[n]], bufs[n % NBUF], gsems[n % NBUF])
    for c in range(max(0, NCH - NBUF), NCH):
        wrs[c].wait()


def _make_router():
    return pl.pallas_call(
        _router_body,
        grid=(S // TB,),
        in_specs=[
            pl.BlockSpec((TB, D), lambda i: (i, 0)),
            pl.BlockSpec((D, LW), lambda i: (0, 0)),
        ],
        out_specs=[
            pl.BlockSpec((TB, 1), lambda i: (i, 0)),
            pl.BlockSpec((1, 1), lambda i: (0, 0)),
            pl.BlockSpec((TB, D), lambda i: (i, 0)),
        ],
        out_shape=[
            jax.ShapeDtypeStruct((S, 1), jnp.int32),
            jax.ShapeDtypeStruct((1, 1), jnp.float32),
            jax.ShapeDtypeStruct((S, D), jnp.bfloat16),
        ],
        scratch_shapes=[pltpu.VMEM((8, LW), jnp.float32)],
        compiler_params=pltpu.CompilerParams(
            dimension_semantics=("arbitrary",)),
    )


def _make_ffn():
    return pl.pallas_call(
        _ffn_body,
        grid=(E, NJ),
        in_specs=[
            pl.BlockSpec((S, 1), lambda e, j: (0, 0)),
            pl.BlockSpec((S, D), lambda e, j: (0, 0)),
            pl.BlockSpec((1, DFB, D), lambda e, j: (e, j, 0)),
            pl.BlockSpec((1, 1, DFB), lambda e, j: (e, 0, j)),
            pl.BlockSpec((1, D, DFB), lambda e, j: (e, 0, j)),
            pl.BlockSpec((1, 1, D), lambda e, j: (e, 0, 0)),
        ],
        out_specs=pl.BlockSpec((1, RPE, DP), lambda e, j: (e, 0, 0)),
        out_shape=jax.ShapeDtypeStruct((E, RPE, DP), jnp.float32),
        scratch_shapes=[pltpu.VMEM((RPE, D), jnp.bfloat16),
                        pltpu.VMEM((RPE, D), jnp.float32)],
        compiler_params=pltpu.CompilerParams(
            dimension_semantics=("arbitrary", "arbitrary")),
    )


def _sc_mesh():
    return plsc.VectorSubcoreMesh(core_axis_name="c", subcore_axis_name="s")


def _make_combine():
    return functools.partial(
        pl.kernel,
        out_type=jax.ShapeDtypeStruct((S, DP), jnp.float32),
        mesh=_sc_mesh(),
        scratch_types=[
            pltpu.VMEM((NCH, CH), jnp.int32),
            pltpu.VMEM((CH, DP), jnp.float32),
            pltpu.VMEM((CH, DP), jnp.float32),
            pltpu.VMEM((CH, DP), jnp.float32),
            pltpu.SemaphoreType.DMA,
            pltpu.SemaphoreType.DMA,
            pltpu.SemaphoreType.DMA,
            pltpu.SemaphoreType.DMA,
            pltpu.SemaphoreType.DMA,
            pltpu.SemaphoreType.DMA,
        ],
    )(_combine_body)


def kernel(H, gate_W, fc1_w, fc1_b, fc2_w, fc2_b):
    b, t, d = H.shape
    h2 = H.reshape(S, D)
    gwt = jnp.zeros((D, LW), jnp.float32).at[:, :E].set(gate_W.T)

    dst, loss, hbf = _make_router()(h2, gwt)
    dst3 = dst.reshape(NW, NCH, CH)

    y = _make_ffn()(dst, hbf, fc1_w,
                    fc1_b.reshape(E, 1, DFF), fc2_w, fc2_b.reshape(E, 1, D))
    out = _make_combine()(y.reshape(NROWS, DP), dst3)
    w = lax.bitcast_convert_type(out, jnp.uint32)
    lo = lax.bitcast_convert_type((w & 0xFFFF).astype(jnp.uint16), jnp.bfloat16)
    hi = lax.bitcast_convert_type((w >> 16).astype(jnp.uint16), jnp.bfloat16)
    outf = jnp.concatenate(
        [lo.astype(jnp.float32), hi.astype(jnp.float32)], axis=-1)
    return outf.reshape(b, t, d), loss[0, 0]

# --- scband reference (transcript-rebuilt; emitter-appended) ---
"""Pipeline reference for scband-mo-elayer-4105988735159 (READ-ONLY COPY).

The authoritative reference and input builder live on the scoring server;
editing this copy changes nothing except your own understanding.
"""

import jax, jax.numpy as jnp
import numpy as np

B, T, D, E, DFF, K = 2, 2048, 1024, 8, 4096, 2
CAPACITY_FACTOR = 1.25
ROUTER_WEIGHT = 0.001
EXPERTS_WEIGHT = 0.01


def setup_inputs(seed: int = 0) -> dict:
    key = jax.random.key(seed)
    ks = jax.random.split(key, 6)
    H = jax.random.normal(ks[0], (B, T, D), dtype=jnp.float32)
    gate_W = jax.random.normal(ks[1], (E, D), dtype=jnp.float32) * 0.02
    fc1_w = jax.random.normal(ks[2], (E, DFF, D), dtype=jnp.float32) * 0.02
    fc1_b = jnp.zeros((E, DFF), dtype=jnp.float32)
    fc2_w = jax.random.normal(ks[3], (E, D, DFF), dtype=jnp.float32) * 0.02
    fc2_b = jnp.zeros((E, D), dtype=jnp.float32)
    return {"H": H, "gate_W": gate_W, "fc1_w": fc1_w, "fc1_b": fc1_b, "fc2_w": fc2_w, "fc2_b": fc2_b}


def reference(H, gate_W, fc1_w, fc1_b, fc2_w, fc2_b):
    b, t, d = H.shape
    S = b * t
    H_flat = H.reshape(S, d)
    # router
    gate_logits = H_flat @ gate_W.T  # (S, E)
    topk_vals, topk_idx = jax.lax.top_k(gate_logits, K)  # (S, K)
    gate_probs = jax.nn.softmax(gate_logits, axis=-1)
    # dispatch mask via scatter-add equivalent (one-hot sum over k slots)
    dispatch_mask = jnp.sum(jax.nn.one_hot(topk_idx, E, dtype=jnp.float32), axis=1)  # (S, E)
    capacity = int(S / E * CAPACITY_FACTOR)
    # aux losses
    router_loss = ROUTER_WEIGHT * jnp.mean(jax.nn.logsumexp(gate_logits, axis=-1) ** 2.0)
    load = dispatch_mask.mean(axis=0)
    importance = gate_probs.mean(axis=0)
    balance_loss = EXPERTS_WEIGHT * E * jnp.mean(load * importance)
    moe_loss = router_loss + balance_loss
    # capacity enforcement (cumulative position per expert)
    positions_in_expert = jnp.cumsum(dispatch_mask, axis=0)
    in_capacity = positions_in_expert <= capacity
    # expert compute; later experts OVERWRITE earlier ones (matches torch index-assign)
    H_out_flat = jnp.zeros_like(H_flat)
    for e in range(E):
        mask_e = (dispatch_mask[:, e] > 0) & in_capacity[:, e]
        h1 = jax.nn.gelu(H_flat @ fc1_w[e].T + fc1_b[e], approximate=False)
        out_e = h1 @ fc2_w[e].T + fc2_b[e]
        H_out_flat = jnp.where(mask_e[:, None], out_e, H_out_flat)
    H_out = H_out_flat.reshape(b, t, d)
    return H_out, moe_loss

if __name__ == "__main__":
    import jax
    _d = setup_inputs()
    print(jax.jit(kernel)(*tuple(_d.values())))

</pallas_src>

<mosaic_0001>
#map = affine_map<(d0, d1) -> (0, 0)>
#map1 = affine_map<(d0, d1) -> (0, 0, 0)>
module attributes {stable_mosaic.version = 14 : i64} {
  func.func @_combine_body(%arg0: i32, %arg1: i32, %arg2: memref<5248x512xf32, #tpu.memory_space<hbm>>, %arg3: memref<32x2x64xi32, #tpu.memory_space<hbm>>, %arg4: memref<4096x512xf32, #tpu.memory_space<hbm>>, %arg5: memref<2x64xi32, #tpu.memory_space<vmem>>, %arg6: memref<64x512xf32, #tpu.memory_space<vmem>>, %arg7: memref<64x512xf32, #tpu.memory_space<vmem>>, %arg8: memref<64x512xf32, #tpu.memory_space<vmem>>, %arg9: memref<!tpu.dma_semaphore, #tpu.memory_space<semaphore_mem>>, %arg10: memref<!tpu.dma_semaphore, #tpu.memory_space<semaphore_mem>>, %arg11: memref<!tpu.dma_semaphore, #tpu.memory_space<semaphore_mem>>, %arg12: memref<!tpu.dma_semaphore, #tpu.memory_space<semaphore_mem>>, %arg13: memref<!tpu.dma_semaphore, #tpu.memory_space<semaphore_mem>>, %arg14: memref<!tpu.dma_semaphore, #tpu.memory_space<semaphore_mem>>) attributes {dimension_semantics = [#tpu.dimension_semantics<core_parallel>, #tpu.dimension_semantics<subcore_parallel>], iteration_bounds = array<i64: 2, 16>, scalar_prefetch = 0 : i64, scratch_operands = 10 : i64, tpu.core_type = #tpu.core_type<sc_vector_subcore>, window_params = [{transform_indices = #map}, {transform_indices = #map1}, {transform_indices = #map}]} {
    %mul3A = arith.constant 2 : i32
    %mul3A_0 = arith.muli %arg1, %mul3A : i32
    %add3A = arith.addi %mul3A_0, %arg0 : i32
    %mul3A_1 = arith.constant 128 : i32
    %mul3A_2 = arith.muli %add3A, %mul3A_1 : i32
    "tpu.region"() ({
      %run_scoped3A = tpu.sem_alloc : memref<!tpu.dma_semaphore, #tpu.memory_space<semaphore_mem>>
      %dma_start3A_49 = arith.constant 0 : i32
      %dma_start3A_50 = arith.constant 0 : i32
      %dma_start3A_51 = tpu.memref_slice %arg3[%add3A, %dma_start3A_49, %dma_start3A_50] : memref<32x2x64xi32, #tpu.memory_space<hbm>> -> memref<1x2x64xi32, #tpu.memory_space<hbm>>
      %dma_start3A_52 = tpu.memref_squeeze %dma_start3A_51 : memref<1x2x64xi32, #tpu.memory_space<hbm>> -> memref<2x64xi32, #tpu.memory_space<hbm>>
      %dma_start3A_53 = arith.constant 0 : i32
      %dma_start3A_54 = arith.constant 0 : i32
      %dma_start3A_55 = tpu.memref_slice %arg3[%add3A, %dma_start3A_53, %dma_start3A_54] : memref<32x2x64xi32, #tpu.memory_space<hbm>> -> memref<1x2x64xi32, #tpu.memory_space<hbm>>
      %dma_start3A_56 = tpu.memref_squeeze %dma_start3A_55 : memref<1x2x64xi32, #tpu.memory_space<hbm>> -> memref<2x64xi32, #tpu.memory_space<hbm>>
      tpu.enqueue_dma source(%dma_start3A_56 : memref<2x64xi32, #tpu.memory_space<hbm>>) target(%arg5 : memref<2x64xi32, #tpu.memory_space<vmem>>) target_semaphore(%run_scoped3A : memref<!tpu.dma_semaphore, #tpu.memory_space<semaphore_mem>>)
      %dma_wait3A_57 = arith.constant 0 : i32
      %dma_wait3A_58 = arith.constant 0 : i32
      %dma_wait3A_59 = tpu.memref_slice %arg3[%add3A, %dma_wait3A_57, %dma_wait3A_58] : memref<32x2x64xi32, #tpu.memory_space<hbm>> -> memref<1x2x64xi32, #tpu.memory_space<hbm>>
      %dma_wait3A_60 = tpu.memref_squeeze %dma_wait3A_59 : memref<1x2x64xi32, #tpu.memory_space<hbm>> -> memref<2x64xi32, #tpu.memory_space<hbm>>
      %dma_wait3A_61 = arith.constant 0 : i32
      %dma_wait3A_62 = arith.constant 0 : i32
      %dma_wait3A_63 = tpu.memref_slice %arg3[%add3A, %dma_wait3A_61, %dma_wait3A_62] : memref<32x2x64xi32, #tpu.memory_space<hbm>> -> memref<1x2x64xi32, #tpu.memory_space<hbm>>
      %dma_wait3A_64 = tpu.memref_squeeze %dma_wait3A_63 : memref<1x2x64xi32, #tpu.memory_space<hbm>> -> memref<2x64xi32, #tpu.memory_space<hbm>>
      tpu.wait_dma2 semaphore(%run_scoped3A : memref<!tpu.dma_semaphore, #tpu.memory_space<semaphore_mem>>) src(%dma_wait3A_64 : memref<2x64xi32, #tpu.memory_space<hbm>>) dst(%arg5 : memref<2x64xi32, #tpu.memory_space<vmem>>)
      tpu.yield
    }) : () -> ()
    %dma_start3A = arith.constant 0 : i32
    %dma_start3A_3 = arith.constant 0 : i32
    %dma_start3A_4 = tpu.memref_slice %arg5[%dma_start3A, %dma_start3A_3] : memref<2x64xi32, #tpu.memory_space<vmem>> -> memref<1x64xi32, #tpu.memory_space<vmem>>
    %dma_start3A_5 = tpu.memref_squeeze %dma_start3A_4 : memref<1x64xi32, #tpu.memory_space<vmem>> -> memref<64xi32, #tpu.memory_space<vmem>>
    %dma_start3A_6 = arith.constant 0 : i32
    %dma_start3A_7 = arith.constant 0 : i32
    %dma_start3A_8 = tpu.memref_slice %arg2[%dma_start3A_6, %dma_start3A_7] : memref<5248x512xf32, #tpu.memory_space<hbm>> -> memref<5248x512xf32, #tpu.memory_space<hbm>>
    tpu.enqueue_indirect_dma source(%dma_start3A_8 : memref<5248x512xf32, #tpu.memory_space<hbm>>) target(%arg6 : memref<64x512xf32, #tpu.memory_space<vmem>>) offsets(%dma_start3A_5 : memref<64xi32, #tpu.memory_space<vmem>>) semaphore(%arg9 : memref<!tpu.dma_semaphore, #tpu.memory_space<semaphore_mem>>)
    %dma_start3A_9 = arith.constant 1 : i32
    %dma_start3A_10 = arith.constant 0 : i32
    %dma_start3A_11 = tpu.memref_slice %arg5[%dma_start3A_9, %dma_start3A_10] : memref<2x64xi32, #tpu.memory_space<vmem>> -> memref<1x64xi32, #tpu.memory_space<vmem>>
    %dma_start3A_12 = tpu.memref_squeeze %dma_start3A_11 : memref<1x64xi32, #tpu.memory_space<vmem>> -> memref<64xi32, #tpu.memory_space<vmem>>
    %dma_start3A_13 = arith.constant 0 : i32
    %dma_start3A_14 = arith.constant 0 : i32
    %dma_start3A_15 = tpu.memref_slice %arg2[%dma_start3A_13, %dma_start3A_14] : memref<5248x512xf32, #tpu.memory_space<hbm>> -> memref<5248x512xf32, #tpu.memory_space<hbm>>
    tpu.enqueue_indirect_dma source(%dma_start3A_15 : memref<5248x512xf32, #tpu.memory_space<hbm>>) target(%arg7 : memref<64x512xf32, #tpu.memory_space<vmem>>) offsets(%dma_start3A_12 : memref<64xi32, #tpu.memory_space<vmem>>) semaphore(%arg10 : memref<!tpu.dma_semaphore, #tpu.memory_space<semaphore_mem>>)
    %dma_wait3A = arith.constant 0 : i32
    %dma_wait3A_16 = arith.constant 0 : i32
    %dma_wait3A_17 = tpu.memref_slice %arg5[%dma_wait3A, %dma_wait3A_16] : memref<2x64xi32, #tpu.memory_space<vmem>> -> memref<1x64xi32, #tpu.memory_space<vmem>>
    %dma_wait3A_18 = tpu.memref_squeeze %dma_wait3A_17 : memref<1x64xi32, #tpu.memory_space<vmem>> -> memref<64xi32, #tpu.memory_space<vmem>>
    %dma_wait3A_19 = arith.constant 0 : i32
    %dma_wait3A_20 = arith.constant 0 : i32
    %dma_wait3A_21 = tpu.memref_slice %arg2[%dma_wait3A_19, %dma_wait3A_20] : memref<5248x512xf32, #tpu.memory_space<hbm>> -> memref<5248x512xf32, #tpu.memory_space<hbm>>
    tpu.wait_indirect_dma semaphore(%arg9 : memref<!tpu.dma_semaphore, #tpu.memory_space<semaphore_mem>>) src(%dma_wait3A_21 : memref<5248x512xf32, #tpu.memory_space<hbm>>) dst(%arg6 : memref<64x512xf32, #tpu.memory_space<vmem>>)
    %add3A_22 = arith.constant 0 : i32
    %add3A_23 = arith.addi %mul3A_2, %add3A_22 : i32
    %dma_start3A_24 = arith.constant 0 : i32
    %dma_start3A_25 = tpu.memref_slice %arg4[%add3A_23, %dma_start3A_24] : memref<4096x512xf32, #tpu.memory_space<hbm>> -> memref<64x512xf32, #tpu.memory_space<hbm>>
    %dma_start3A_26 = arith.constant 0 : i32
    %dma_start3A_27 = tpu.memref_slice %arg4[%add3A_23, %dma_start3A_26] : memref<4096x512xf32, #tpu.memory_space<hbm>> -> memref<64x512xf32, #tpu.memory_space<hbm>>
    tpu.enqueue_dma source(%arg6 : memref<64x512xf32, #tpu.memory_space<vmem>>) target(%dma_start3A_27 : memref<64x512xf32, #tpu.memory_space<hbm>>) target_semaphore(%arg12 : memref<!tpu.dma_semaphore, #tpu.memory_space<semaphore_mem>>)
    %dma_wait3A_28 = arith.constant 1 : i32
    %dma_wait3A_29 = arith.constant 0 : i32
    %dma_wait3A_30 = tpu.memref_slice %arg5[%dma_wait3A_28, %dma_wait3A_29] : memref<2x64xi32, #tpu.memory_space<vmem>> -> memref<1x64xi32, #tpu.memory_space<vmem>>
    %dma_wait3A_31 = tpu.memref_squeeze %dma_wait3A_30 : memref<1x64xi32, #tpu.memory_space<vmem>> -> memref<64xi32, #tpu.memory_space<vmem>>
    %dma_wait3A_32 = arith.constant 0 : i32
    %dma_wait3A_33 = arith.constant 0 : i32
    %dma_wait3A_34 = tpu.memref_slice %arg2[%dma_wait3A_32, %dma_wait3A_33] : memref<5248x512xf32, #tpu.memory_space<hbm>> -> memref<5248x512xf32, #tpu.memory_space<hbm>>
    tpu.wait_indirect_dma semaphore(%arg10 : memref<!tpu.dma_semaphore, #tpu.memory_space<semaphore_mem>>) src(%dma_wait3A_34 : memref<5248x512xf32, #tpu.memory_space<hbm>>) dst(%arg7 : memref<64x512xf32, #tpu.memory_space<vmem>>)
    %add3A_35 = arith.constant 64 : i32
    %add3A_36 = arith.addi %mul3A_2, %add3A_35 : i32
    %dma_start3A_37 = arith.constant 0 : i32
    %dma_start3A_38 = tpu.memref_slice %arg4[%add3A_36, %dma_start3A_37] : memref<4096x512xf32, #tpu.memory_space<hbm>> -> memref<64x512xf32, #tpu.memory_space<hbm>>
    %dma_start3A_39 = arith.constant 0 : i32
    %dma_start3A_40 = tpu.memref_slice %arg4[%add3A_36, %dma_start3A_39] : memref<4096x512xf32, #tpu.memory_space<hbm>> -> memref<64x512xf32, #tpu.memory_space<hbm>>
    tpu.enqueue_dma source(%arg7 : memref<64x512xf32, #tpu.memory_space<vmem>>) target(%dma_start3A_40 : memref<64x512xf32, #tpu.memory_space<hbm>>) target_semaphore(%arg13 : memref<!tpu.dma_semaphore, #tpu.memory_space<semaphore_mem>>)
    %dma_wait3A_41 = arith.constant 0 : i32
    %dma_wait3A_42 = tpu.memref_slice %arg4[%add3A_23, %dma_wait3A_41] : memref<4096x512xf32, #tpu.memory_space<hbm>> -> memref<64x512xf32, #tpu.memory_space<hbm>>
    %dma_wait3A_43 = arith.constant 0 : i32
    %dma_wait3A_44 = tpu.memref_slice %arg4[%add3A_23, %dma_wait3A_43] : memref<4096x512xf32, #tpu.memory_space<hbm>> -> memref<64x512xf32, #tpu.memory_space<hbm>>
    tpu.wait_dma2 semaphore(%arg12 : memref<!tpu.dma_semaphore, #tpu.memory_space<semaphore_mem>>) src(%arg6 : memref<64x512xf32, #tpu.memory_space<vmem>>) dst(%dma_wait3A_44 : memref<64x512xf32, #tpu.memory_space<hbm>>)
    %dma_wait3A_45 = arith.constant 0 : i32
    %dma_wait3A_46 = tpu.memref_slice %arg4[%add3A_36, %dma_wait3A_45] : memref<4096x512xf32, #tpu.memory_space<hbm>> -> memref<64x512xf32, #tpu.memory_space<hbm>>
    %dma_wait3A_47 = arith.constant 0 : i32
    %dma_wait3A_48 = tpu.memref_slice %arg4[%add3A_36, %dma_wait3A_47] : memref<4096x512xf32, #tpu.memory_space<hbm>> -> memref<64x512xf32, #tpu.memory_space<hbm>>
    tpu.wait_dma2 semaphore(%arg13 : memref<!tpu.dma_semaphore, #tpu.memory_space<semaphore_mem>>) src(%arg7 : memref<64x512xf32, #tpu.memory_space<vmem>>) dst(%dma_wait3A_48 : memref<64x512xf32, #tpu.memory_space<hbm>>)
    return
  }
}

module attributes {stable_mosaic.version = 14 : i64} {
  func.func @_router_body(%arg0: i32, %arg1: memref<512x1024xf32, #tpu.memory_space<vmem>>, %arg2: memref<1024x128xf32, #tpu.memory_space<vmem>>, %arg3: memref<512x1xi32, #tpu.memory_space<vmem>>, %arg4: memref<1x1xf32, #tpu.memory_space<vmem>>, %arg5: memref<512x1024xbf16, #tpu.memory_space<vmem>>, %arg6: memref<8x128xf32, #tpu.memory_space<vmem>>) attributes {dimension_semantics = [#tpu.dimension_semantics<arbitrary>], iteration_bounds = array<i64: 8>, scalar_prefetch = 0 : i64, scratch_operands = 1 : i64, tpu.core_type = #tpu.core_type<tc>, window_params = [{transform_indices = @transform_0, window_bounds = array<i64: 512, 1024>}, {pipeline_mode = #tpu.pipeline_mode<synchronous>, transform_indices = @transform_1, window_bounds = array<i64: 1024, 128>}, {transform_indices = @transform_2, window_bounds = array<i64: 512, 1>}, {pipeline_mode = #tpu.pipeline_mode<synchronous>, transform_indices = @transform_3, window_bounds = array<i64: 1, 1>}, {transform_indices = @transform_4, window_bounds = array<i64: 512, 1024>}]} {
    %eq3A = arith.constant 0 : i32
    %eq3A_0 = arith.cmpi eq, %arg0, %eq3A : i32
    %convert_element_type3A = arith.extui %eq3A_0 : i1 to i32
    %cond3A = arith.constant 0 : i32
    %cond3A_1 = arith.cmpi ne, %convert_element_type3A, %cond3A : i32
    scf.if %cond3A_1 {
      %broadcast_in_dim3A_161 = arith.constant 0.000000e+00 : f32
      %broadcast_in_dim3A_162 = vector.broadcast %broadcast_in_dim3A_161 : f32 to vector<8x128xf32>
      %swap3A_163 = arith.constant 0 : index
      %swap3A_164 = arith.constant 0 : index
      %swap3A_165 = vector.load %arg6[%swap3A_163, %swap3A_164] : memref<8x128xf32, #tpu.memory_space<vmem>>, vector<8x128xf32>
      tpu.vector_store %arg6[%swap3A_163, %swap3A_164], %broadcast_in_dim3A_162 {strides = array<i32>} : memref<8x128xf32, #tpu.memory_space<vmem>>, vector<8x128xf32>,
    } else {
    }
    %get3A = arith.constant 0 : index
    %get3A_2 = arith.constant 0 : index
    %get3A_3 = vector.load %arg1[%get3A, %get3A_2] : memref<512x1024xf32, #tpu.memory_space<vmem>>, vector<512x1024xf32>
    %convert_element_type3A_4 = arith.truncf %get3A_3 : vector<512x1024xf32> to vector<512x1024xbf16>
    %swap3A = arith.constant 0 : index
    %swap3A_5 = arith.constant 0 : index
    %swap3A_6 = vector.load %arg5[%swap3A, %swap3A_5] : memref<512x1024xbf16, #tpu.memory_space<vmem>>, vector<512x1024xbf16>
    tpu.vector_store %arg5[%swap3A, %swap3A_5], %convert_element_type3A_4 {strides = array<i32>} : memref<512x1024xbf16, #tpu.memory_space<vmem>>, vector<512x1024xbf16>,
    %get3A_7 = arith.constant 0 : index
    %get3A_8 = arith.constant 0 : index
    %get3A_9 = vector.load %arg2[%get3A_7, %get3A_8] : memref<1024x128xf32, #tpu.memory_space<vmem>>, vector<1024x128xf32>
    %dot_general3A = arith.constant dense<0.000000e+00> : vector<512x128xf32>
    %dot_general3A_10 = tpu.matmul %get3A_3, %get3A_9, %dot_general3A {dimension_numbers = #tpu.dot_dimension_numbers<[1], [0], [0], [1], [0, 0, 1, 1], [], []>, transpose_lhs_hint = false} : vector<512x1024xf32>, vector<1024x128xf32>, vector<512x128xf32> -> vector<512x128xf32>
    %iota3A = tpu.iota {dimensions = array<i32: 1>} : vector<512x128xi32>
    %lt3A = arith.constant 8 : i32
    %lt3A_11 = vector.broadcast %lt3A : i32 to vector<512x128xi32>
    %lt3A_12 = arith.cmpi slt, %iota3A, %lt3A_11 : vector<512x128xi32>
    %jit3A = arith.constant 0xFF800000 : f32
    %broadcast_in_dim3A = vector.broadcast %jit3A : f32 to vector<512x128xf32>
    %select_n3A = arith.select %lt3A_12, %dot_general3A_10, %broadcast_in_dim3A : vector<512x128xi1>, vector<512x128xf32>
    %reduce_max3A = arith.constant dense<0xFF800000> : vector<512xf32>
    %reduce_max3A_13 = vector.multi_reduction <maximumf>, %select_n3A, %reduce_max3A [1] : vector<512x128xf32> to vector<512xf32>
    %broadcast_in_dim3A_14 = vector.shape_cast %reduce_max3A_13 : vector<512xf32> to vector<512x1xf32>
    %eq3A_15 = vector.broadcast %broadcast_in_dim3A_14 : vector<512x1xf32> to vector<512x128xf32>
    %eq3A_16 = arith.cmpf oeq, %select_n3A, %eq3A_15 : vector<512x128xf32>
    %jit3A_17 = arith.constant 128 : i32
    %broadcast_in_dim3A_18 = vector.broadcast %jit3A_17 : i32 to vector<512x128xi32>
    %select_n3A_19 = arith.select %eq3A_16, %iota3A, %broadcast_in_dim3A_18 : vector<512x128xi1>, vector<512x128xi32>
    %reduce_min3A = arith.constant dense<2147483647> : vector<512xi32>
    %reduce_min3A_20 = vector.multi_reduction <minsi>, %select_n3A_19, %reduce_min3A [1] : vector<512x128xi32> to vector<512xi32>
    %broadcast_in_dim3A_21 = vector.shape_cast %reduce_min3A_20 : vector<512xi32> to vector<512x1xi32>
    %eq3A_22 = vector.broadcast %broadcast_in_dim3A_21 : vector<512x1xi32> to vector<512x128xi32>
    %eq3A_23 = arith.cmpi eq, %iota3A, %eq3A_22 : vector<512x128xi32>
    %jit3A_24 = arith.constant 0xFF800000 : f32
    %broadcast_in_dim3A_25 = vector.broadcast %jit3A_24 : f32 to vector<512x128xf32>
    %select_n3A_26 = arith.select %eq3A_23, %broadcast_in_dim3A_25, %select_n3A : vector<512x128xi1>, vector<512x128xf32>
    %reduce_max3A_27 = arith.constant dense<0xFF800000> : vector<512xf32>
    %reduce_max3A_28 = vector.multi_reduction <maximumf>, %select_n3A_26, %reduce_max3A_27 [1] : vector<512x128xf32> to vector<512xf32>
    %broadcast_in_dim3A_29 = vector.shape_cast %reduce_max3A_28 : vector<512xf32> to vector<512x1xf32>
    %eq3A_30 = vector.broadcast %broadcast_in_dim3A_29 : vector<512x1xf32> to vector<512x128xf32>
    %eq3A_31 = arith.cmpf oeq, %select_n3A_26, %eq3A_30 : vector<512x128xf32>
    %jit3A_32 = arith.constant 128 : i32
    %broadcast_in_dim3A_33 = vector.broadcast %jit3A_32 : i32 to vector<512x128xi32>
    %select_n3A_34 = arith.select %eq3A_31, %iota3A, %broadcast_in_dim3A_33 : vector<512x128xi1>, vector<512x128xi32>
    %reduce_min3A_35 = arith.constant dense<2147483647> : vector<512xi32>
    %reduce_min3A_36 = vector.multi_reduction <minsi>, %select_n3A_34, %reduce_min3A_35 [1] : vector<512x128xi32> to vector<512xi32>
    %broadcast_in_dim3A_37 = vector.shape_cast %reduce_min3A_36 : vector<512xi32> to vector<512x1xi32>
    %sub3A = vector.broadcast %broadcast_in_dim3A_14 : vector<512x1xf32> to vector<512x128xf32>
    %sub3A_38 = arith.subf %select_n3A, %sub3A : vector<512x128xf32>
    %exp3A = math.exp %sub3A_38 : vector<512x128xf32>
    %reduce_sum3A = arith.constant dense<0.000000e+00> : vector<512xf32>
    %reduce_sum3A_39 = vector.multi_reduction <add>, %exp3A, %reduce_sum3A [1] : vector<512x128xf32> to vector<512xf32>
    %broadcast_in_dim3A_40 = vector.shape_cast %reduce_sum3A_39 : vector<512xf32> to vector<512x1xf32>
    %div3A = vector.broadcast %broadcast_in_dim3A_40 : vector<512x1xf32> to vector<512x128xf32>
    %div3A_41 = arith.divf %exp3A, %div3A : vector<512x128xf32>
    %log3A = math.log %broadcast_in_dim3A_40 : vector<512x1xf32>
    %add3A = arith.addf %broadcast_in_dim3A_14, %log3A : vector<512x1xf32>
    %eq3A_42 = vector.broadcast %broadcast_in_dim3A_21 : vector<512x1xi32> to vector<512x128xi32>
    %eq3A_43 = arith.cmpi eq, %iota3A, %eq3A_42 : vector<512x128xi32>
    %convert_element_type3A_44 = arith.extui %eq3A_43 : vector<512x128xi1> to vector<512x128xi32>
    %convert_element_type3A_45 = arith.sitofp %convert_element_type3A_44 : vector<512x128xi32> to vector<512x128xf32>
    %eq3A_46 = vector.broadcast %broadcast_in_dim3A_37 : vector<512x1xi32> to vector<512x128xi32>
    %eq3A_47 = arith.cmpi eq, %iota3A, %eq3A_46 : vector<512x128xi32>
    %convert_element_type3A_48 = arith.extui %eq3A_47 : vector<512x128xi1> to vector<512x128xi32>
    %convert_element_type3A_49 = arith.sitofp %convert_element_type3A_48 : vector<512x128xi32> to vector<512x128xf32>
    %add3A_50 = arith.addf %convert_element_type3A_45, %convert_element_type3A_49 : vector<512x128xf32>
    %iota3A_51 = tpu.iota {dimensions = array<i32: 0>} : vector<512x512xi32>
    %iota3A_52 = tpu.iota {dimensions = array<i32: 1>} : vector<512x512xi32>
    %ge3A = arith.cmpi sge, %iota3A_51, %iota3A_52 : vector<512x512xi32>
    %convert_element_type3A_53 = arith.extui %ge3A : vector<512x512xi1> to vector<512x512xi32>
    %convert_element_type3A_54 = arith.sitofp %convert_element_type3A_53 : vector<512x512xi32> to vector<512x512xf32>
    %dot_general3A_55 = arith.constant dense<0.000000e+00> : vector<512x128xf32>
    %dot_general3A_56 = tpu.matmul %convert_element_type3A_54, %add3A_50, %dot_general3A_55 {dimension_numbers = #tpu.dot_dimension_numbers<[1], [0], [0], [1], [0, 0, 1, 1], [], []>, transpose_lhs_hint = false} : vector<512x512xf32>, vector<512x128xf32>, vector<512x128xf32> -> vector<512x128xf32>
    %get3A_57 = arith.constant 0 : index
    %get3A_58 = arith.constant 0 : index
    %get3A_59 = vector.load %arg6[%get3A_57, %get3A_58] : memref<8x128xf32, #tpu.memory_space<vmem>>, vector<1x128xf32>
    %add3A_60 = vector.broadcast %get3A_59 : vector<1x128xf32> to vector<512x128xf32>
    %add3A_61 = arith.addf %dot_general3A_56, %add3A_60 : vector<512x128xf32>
    %mul3A = arith.mulf %add3A_61, %convert_element_type3A_45 : vector<512x128xf32>
    %reduce_sum3A_62 = arith.constant dense<0.000000e+00> : vector<512xf32>
    %reduce_sum3A_63 = vector.multi_reduction <add>, %mul3A, %reduce_sum3A_62 [1] : vector<512x128xf32> to vector<512xf32>
    %broadcast_in_dim3A_64 = vector.shape_cast %reduce_sum3A_63 : vector<512xf32> to vector<512x1xf32>
    %mul3A_65 = arith.mulf %add3A_61, %convert_element_type3A_49 : vector<512x128xf32>
    %reduce_sum3A_66 = arith.constant dense<0.000000e+00> : vector<512xf32>
    %reduce_sum3A_67 = vector.multi_reduction <add>, %mul3A_65, %reduce_sum3A_66 [1] : vector<512x128xf32> to vector<512xf32>
    %broadcast_in_dim3A_68 = vector.shape_cast %reduce_sum3A_67 : vector<512xf32> to vector<512x1xf32>
    %le3A = arith.constant 6.400000e+02 : f32
    %le3A_69 = vector.broadcast %le3A : f32 to vector<512x1xf32>
    %le3A_70 = arith.cmpf ole, %broadcast_in_dim3A_64, %le3A_69 : vector<512x1xf32>
    %jit3A_71 = arith.constant -1 : i32
    %broadcast_in_dim3A_72 = vector.broadcast %jit3A_71 : i32 to vector<512x1xi32>
    %select_n3A_73 = arith.select %le3A_70, %broadcast_in_dim3A_21, %broadcast_in_dim3A_72 : vector<512x1xi1>, vector<512x1xi32>
    %le3A_74 = arith.constant 6.400000e+02 : f32
    %le3A_75 = vector.broadcast %le3A_74 : f32 to vector<512x1xf32>
    %le3A_76 = arith.cmpf ole, %broadcast_in_dim3A_68, %le3A_75 : vector<512x1xf32>
    %jit3A_77 = arith.constant -1 : i32
    %broadcast_in_dim3A_78 = vector.broadcast %jit3A_77 : i32 to vector<512x1xi32>
    %select_n3A_79 = arith.select %le3A_76, %broadcast_in_dim3A_37, %broadcast_in_dim3A_78 : vector<512x1xi1>, vector<512x1xi32>
    %max3A = arith.maxsi %select_n3A_73, %select_n3A_79 : vector<512x1xi32>
    %eq3A_80 = vector.broadcast %max3A : vector<512x1xi32> to vector<512x128xi32>
    %eq3A_81 = arith.cmpi eq, %iota3A, %eq3A_80 : vector<512x128xi32>
    %convert_element_type3A_82 = arith.extui %eq3A_81 : vector<512x128xi1> to vector<512x128xi32>
    %convert_element_type3A_83 = arith.sitofp %convert_element_type3A_82 : vector<512x128xi32> to vector<512x128xf32>
    %dot_general3A_84 = arith.constant dense<0.000000e+00> : vector<512x128xf32>
    %dot_general3A_85 = tpu.matmul %convert_element_type3A_54, %convert_element_type3A_83, %dot_general3A_84 {dimension_numbers = #tpu.dot_dimension_numbers<[1], [0], [0], [1], [0, 0, 1, 1], [], []>, transpose_lhs_hint = false} : vector<512x512xf32>, vector<512x128xf32>, vector<512x128xf32> -> vector<512x128xf32>
    %get3A_86 = arith.constant 1 : index
    %get3A_87 = arith.constant 0 : index
    %get3A_88 = vector.load %arg6[%get3A_86, %get3A_87] : memref<8x128xf32, #tpu.memory_space<vmem>>, vector<1x128xf32>
    %add3A_89 = vector.broadcast %get3A_88 : vector<1x128xf32> to vector<512x128xf32>
    %add3A_90 = arith.addf %dot_general3A_85, %add3A_89 : vector<512x128xf32>
    %mul3A_91 = arith.mulf %add3A_90, %convert_element_type3A_83 : vector<512x128xf32>
    %reduce_sum3A_92 = arith.constant dense<0.000000e+00> : vector<512xf32>
    %reduce_sum3A_93 = vector.multi_reduction <add>, %mul3A_91, %reduce_sum3A_92 [1] : vector<512x128xf32> to vector<512xf32>
    %broadcast_in_dim3A_94 = vector.shape_cast %reduce_sum3A_93 : vector<512xf32> to vector<512x1xf32>
    %convert_element_type3A_95 = arith.fptosi %broadcast_in_dim3A_94 : vector<512x1xf32> to vector<512x1xi32>
    %sub3A_96 = arith.constant 1 : i32
    %sub3A_97 = vector.broadcast %sub3A_96 : i32 to vector<512x1xi32>
    %sub3A_98 = arith.subi %convert_element_type3A_95, %sub3A_97 : vector<512x1xi32>
    %ge3A_99 = arith.constant 0 : i32
    %ge3A_100 = vector.broadcast %ge3A_99 : i32 to vector<512x1xi32>
    %ge3A_101 = arith.cmpi sge, %max3A, %ge3A_100 : vector<512x1xi32>
    %mul3A_102 = arith.constant 656 : i32
    %mul3A_103 = vector.broadcast %mul3A_102 : i32 to vector<512x1xi32>
    %mul3A_104 = arith.muli %max3A, %mul3A_103 : vector<512x1xi32>
    %add3A_105 = arith.addi %mul3A_104, %sub3A_98 : vector<512x1xi32>
    %jit3A_106 = arith.constant 648 : i32
    %broadcast_in_dim3A_107 = vector.broadcast %jit3A_106 : i32 to vector<512x1xi32>
    %select_n3A_108 = arith.select %ge3A_101, %add3A_105, %broadcast_in_dim3A_107 : vector<512x1xi1>, vector<512x1xi32>
    %swap3A_109 = arith.constant 0 : index
    %swap3A_110 = arith.constant 0 : index
    %swap3A_111 = vector.load %arg3[%swap3A_109, %swap3A_110] : memref<512x1xi32, #tpu.memory_space<vmem>>, vector<512x1xi32>
    tpu.vector_store %arg3[%swap3A_109, %swap3A_110], %select_n3A_108 {strides = array<i32>} : memref<512x1xi32, #tpu.memory_space<vmem>>, vector<512x1xi32>,
    %get3A_112 = arith.constant 0 : index
    %get3A_113 = arith.constant 0 : index
    %get3A_114 = vector.load %arg6[%get3A_112, %get3A_113] : memref<8x128xf32, #tpu.memory_space<vmem>>, vector<1x128xf32>
    %reduce_sum3A_115 = arith.constant dense<0.000000e+00> : vector<128xf32>
    %reduce_sum3A_116 = vector.multi_reduction <add>, %add3A_50, %reduce_sum3A_115 [0] : vector<512x128xf32> to vector<128xf32>
    %broadcast_in_dim3A_117 = vector.shape_cast %reduce_sum3A_116 : vector<128xf32> to vector<1x128xf32>
    %add3A_118 = arith.addf %get3A_114, %broadcast_in_dim3A_117 : vector<1x128xf32>
    %swap3A_119 = arith.constant 0 : index
    %swap3A_120 = arith.constant 0 : index
    %swap3A_121 = vector.load %arg6[%swap3A_119, %swap3A_120] : memref<8x128xf32, #tpu.memory_space<vmem>>, vector<1x128xf32>
    tpu.vector_store %arg6[%swap3A_119, %swap3A_120], %add3A_118 {strides = array<i32>} : memref<8x128xf32, #tpu.memory_space<vmem>>, vector<1x128xf32>,
    %get3A_122 = arith.constant 1 : index
    %get3A_123 = arith.constant 0 : index
    %get3A_124 = vector.load %arg6[%get3A_122, %get3A_123] : memref<8x128xf32, #tpu.memory_space<vmem>>, vector<1x128xf32>
    %reduce_sum3A_125 = arith.constant dense<0.000000e+00> : vector<128xf32>
    %reduce_sum3A_126 = vector.multi_reduction <add>, %convert_element_type3A_83, %reduce_sum3A_125 [0] : vector<512x128xf32> to vector<128xf32>
    %broadcast_in_dim3A_127 = vector.shape_cast %reduce_sum3A_126 : vector<128xf32> to vector<1x128xf32>
    %add3A_128 = arith.addf %get3A_124, %broadcast_in_dim3A_127 : vector<1x128xf32>
    %swap3A_129 = arith.constant 1 : index
    %swap3A_130 = arith.constant 0 : index
    %swap3A_131 = vector.load %arg6[%swap3A_129, %swap3A_130] : memref<8x128xf32, #tpu.memory_space<vmem>>, vector<1x128xf32>
    tpu.vector_store %arg6[%swap3A_129, %swap3A_130], %add3A_128 {strides = array<i32>} : memref<8x128xf32, #tpu.memory_space<vmem>>, vector<1x128xf32>,
    %get3A_132 = arith.constant 2 : index
    %get3A_133 = arith.constant 0 : index
    %get3A_134 = vector.load %arg6[%get3A_132, %get3A_133] : memref<8x128xf32, #tpu.memory_space<vmem>>, vector<1x128xf32>
    %reduce_sum3A_135 = arith.constant dense<0.000000e+00> : vector<128xf32>
    %reduce_sum3A_136 = vector.multi_reduction <add>, %div3A_41, %reduce_sum3A_135 [0] : vector<512x128xf32> to vector<128xf32>
    %broadcast_in_dim3A_137 = vector.shape_cast %reduce_sum3A_136 : vector<128xf32> to vector<1x128xf32>
    %add3A_138 = arith.addf %get3A_134, %broadcast_in_dim3A_137 : vector<1x128xf32>
    %swap3A_139 = arith.constant 2 : index
    %swap3A_140 = arith.constant 0 : index
    %swap3A_141 = vector.load %arg6[%swap3A_139, %swap3A_140] : memref<8x128xf32, #tpu.memory_space<vmem>>, vector<1x128xf32>
    tpu.vector_store %arg6[%swap3A_139, %swap3A_140], %add3A_138 {strides = array<i32>} : memref<8x128xf32, #tpu.memory_space<vmem>>, vector<1x128xf32>,
    %get3A_142 = arith.constant 3 : index
    %get3A_143 = arith.constant 0 : index
    %get3A_144 = vector.load %arg6[%get3A_142, %get3A_143] : memref<8x128xf32, #tpu.memory_space<vmem>>, vector<1x128xf32>
    %mul3A_145 = arith.mulf %add3A, %add3A : vector<512x1xf32>
    %reduce_sum3A_146 = vector.shape_cast %mul3A_145 : vector<512x1xf32> to vector<1x512x1xf32>
    %reduce_sum3A_147 = arith.constant dense<0.000000e+00> : vector<1xf32>
    %reduce_sum3A_148 = vector.multi_reduction <add>, %reduce_sum3A_146, %reduce_sum3A_147 [1, 2] : vector<1x512x1xf32> to vector<1xf32>
    %reduce_sum3A_149 = vector.shape_cast %reduce_sum3A_148 : vector<1xf32> to vector<1x1x1xf32>
    %reduce_sum3A_150 = vector.extract %reduce_sum3A_149[0, 0, 0] : f32 from vector<1x1x1xf32>
    %add3A_151 = vector.broadcast %reduce_sum3A_150 : f32 to vector<1x128xf32>
    %add3A_152 = arith.addf %get3A_144, %add3A_151 : vector<1x128xf32>
    %swap3A_153 = arith.constant 3 : index
    %swap3A_154 = arith.constant 0 : index
    %swap3A_155 = vector.load %arg6[%swap3A_153, %swap3A_154] : memref<8x128xf32, #tpu.memory_space<vmem>>, vector<1x128xf32>
    tpu.vector_store %arg6[%swap3A_153, %swap3A_154], %add3A_152 {strides = array<i32>} : memref<8x128xf32, #tpu.memory_space<vmem>>, vector<1x128xf32>,
    %eq3A_156 = arith.constant 7 : i32
    %eq3A_157 = arith.cmpi eq, %arg0, %eq3A_156 : i32
    %convert_element_type3A_158 = arith.extui %eq3A_157 : i1 to i32
    %cond3A_159 = arith.constant 0 : i32
    %cond3A_160 = arith.cmpi ne, %convert_element_type3A_158, %cond3A_159 : i32
    scf.if %cond3A_160 {
      %get3A_161 = arith.constant 0 : index
      %get3A_162 = arith.constant 0 : index
      %get3A_163 = vector.load %arg6[%get3A_161, %get3A_162] : memref<8x128xf32, #tpu.memory_space<vmem>>, vector<1x128xf32>
      %div3A_164 = arith.constant 4.096000e+03 : f32
      %div3A_165 = vector.broadcast %div3A_164 : f32 to vector<1x128xf32>
      %div3A_166 = arith.divf %get3A_163, %div3A_165 : vector<1x128xf32>
      %get3A_167 = arith.constant 2 : index
      %get3A_168 = arith.constant 0 : index
      %get3A_169 = vector.load %arg6[%get3A_167, %get3A_168] : memref<8x128xf32, #tpu.memory_space<vmem>>, vector<1x128xf32>
      %div3A_170 = arith.constant 4.096000e+03 : f32
      %div3A_171 = vector.broadcast %div3A_170 : f32 to vector<1x128xf32>
      %div3A_172 = arith.divf %get3A_169, %div3A_171 : vector<1x128xf32>
      %mul3A_173 = arith.mulf %div3A_166, %div3A_172 : vector<1x128xf32>
      %reduce_sum3A_174 = vector.shape_cast %mul3A_173 : vector<1x128xf32> to vector<1x1x128xf32>
      %reduce_sum3A_175 = arith.constant dense<0.000000e+00> : vector<1xf32>
      %reduce_sum3A_176 = vector.multi_reduction <add>, %reduce_sum3A_174, %reduce_sum3A_175 [1, 2] : vector<1x1x128xf32> to vector<1xf32>
      %reduce_sum3A_177 = vector.shape_cast %reduce_sum3A_176 : vector<1xf32> to vector<1x1x1xf32>
      %reduce_sum3A_178 = vector.extract %reduce_sum3A_177[0, 0, 0] : f32 from vector<1x1x1xf32>
      %mul3A_179 = arith.constant 0.00999999977 : f32
      %mul3A_180 = arith.mulf %mul3A_179, %reduce_sum3A_178 : f32
      %get3A_181 = arith.constant 3 : index
      %get3A_182 = arith.constant 0 : index
      %get3A_183 = vector.load %arg6[%get3A_181, %get3A_182] : memref<8x128xf32, #tpu.memory_space<vmem>>, vector<1x128xf32>
      %reduce_max3A_184 = vector.shape_cast %get3A_183 : vector<1x128xf32> to vector<1x1x128xf32>
      %reduce_max3A_185 = arith.constant dense<0xFF800000> : vector<1xf32>
      %reduce_max3A_186 = vector.multi_reduction <maximumf>, %reduce_max3A_184, %reduce_max3A_185 [1, 2] : vector<1x1x128xf32> to vector<1xf32>
      %reduce_max3A_187 = vector.shape_cast %reduce_max3A_186 : vector<1xf32> to vector<1x1x1xf32>
      %reduce_max3A_188 = vector.extract %reduce_max3A_187[0, 0, 0] : f32 from vector<1x1x1xf32>
      %mul3A_189 = arith.constant 1.000000e-03 : f32
      %mul3A_190 = arith.mulf %mul3A_189, %reduce_max3A_188 : f32
      %div3A_191 = arith.constant 4.096000e+03 : f32
      %div3A_192 = arith.divf %mul3A_190, %div3A_191 : f32
      %add3A_193 = arith.addf %div3A_192, %mul3A_180 : f32
      %reshape3A = vector.broadcast %add3A_193 : f32 to vector<1x1xf32>
      %swap3A_194 = arith.constant 0 : index
      %swap3A_195 = arith.constant 0 : index
      %swap3A_196 = vector.load %arg4[%swap3A_194, %swap3A_195] : memref<1x1xf32, #tpu.memory_space<vmem>>, vector<1x1xf32>
      tpu.vector_store %arg4[%swap3A_194, %swap3A_195], %reshape3A {strides = array<i32>} : memref<1x1xf32, #tpu.memory_space<vmem>>, vector<1x1xf32>,
    } else {
    }
    return
  }
  func.func @transform_0(%arg0: i32) -> (i32, i32) {
    %c0_i32 = arith.constant 0 : i32
    %c0_i32_0 = arith.constant 0 : i32
    return %arg0, %c0_i32 : i32, i32
  }
  func.func @transform_1(%arg0: i32) -> (i32, i32) {
    %c0_i32 = arith.constant 0 : i32
    %c0_i32_0 = arith.constant 0 : i32
    %c0_i32_1 = arith.constant 0 : i32
    return %c0_i32, %c0_i32_0 : i32, i32
  }
  func.func @transform_2(%arg0: i32) -> (i32, i32) {
    %c0_i32 = arith.constant 0 : i32
    %c0_i32_0 = arith.constant 0 : i32
    return %arg0, %c0_i32 : i32, i32
  }
  func.func @transform_3(%arg0: i32) -> (i32, i32) {
    %c0_i32 = arith.constant 0 : i32
    %c0_i32_0 = arith.constant 0 : i32
    %c0_i32_1 = arith.constant 0 : i32
    return %c0_i32, %c0_i32_0 : i32, i32
  }
  func.func @transform_4(%arg0: i32) -> (i32, i32) {
    %c0_i32 = arith.constant 0 : i32
    %c0_i32_0 = arith.constant 0 : i32
    return %arg0, %c0_i32 : i32, i32
  }
}

module attributes {stable_mosaic.version = 14 : i64} {
  func.func @_ffn_body(%arg0: i32, %arg1: i32, %arg2: memref<4096x1xi32, #tpu.memory_space<vmem>>, %arg3: memref<4096x1024xbf16, #tpu.memory_space<vmem>>, %arg4: memref<1x1024x1024xf32, #tpu.memory_space<vmem>>, %arg5: memref<1x1x1024xf32, #tpu.memory_space<vmem>>, %arg6: memref<1x1024x1024xf32, #tpu.memory_space<vmem>>, %arg7: memref<1x1x1024xf32, #tpu.memory_space<vmem>>, %arg8: memref<1x656x512xf32, #tpu.memory_space<vmem>>, %arg9: memref<656x1024xbf16, #tpu.memory_space<vmem>>, %arg10: memref<656x1024xf32, #tpu.memory_space<vmem>>) attributes {dimension_semantics = [#tpu.dimension_semantics<arbitrary>, #tpu.dimension_semantics<arbitrary>], iteration_bounds = array<i64: 8, 4>, scalar_prefetch = 0 : i64, scratch_operands = 2 : i64, tpu.core_type = #tpu.core_type<tc>, window_params = [{pipeline_mode = #tpu.pipeline_mode<synchronous>, transform_indices = @transform_0, window_bounds = array<i64: 4096, 1>}, {pipeline_mode = #tpu.pipeline_mode<synchronous>, transform_indices = @transform_1, window_bounds = array<i64: 4096, 1024>}, {transform_indices = @transform_2, window_bounds = array<i64: 1, 1024, 1024>}, {transform_indices = @transform_3, window_bounds = array<i64: 1, 1, 1024>}, {transform_indices = @transform_4, window_bounds = array<i64: 1, 1024, 1024>}, {transform_indices = @transform_5, window_bounds = array<i64: 1, 1, 1024>}, {transform_indices = @transform_6, window_bounds = array<i64: 1, 656, 512>}]} {
    %eq3A = arith.constant 0 : i32
    %eq3A_0 = arith.cmpi eq, %arg1, %eq3A : i32
    %convert_element_type3A = arith.extui %eq3A_0 : i1 to i32
    %cond3A = arith.constant 0 : i32
    %cond3A_1 = arith.cmpi ne, %convert_element_type3A, %cond3A : i32
    scf.if %cond3A_1 {
      %iota3A = tpu.iota {dimensions = array<i32: 1>} : vector<4096x656xi32>
      %mul3A_49 = arith.constant 656 : i32
      %mul3A_50 = arith.muli %arg0, %mul3A_49 : i32
      %add3A_51 = vector.broadcast %mul3A_50 : i32 to vector<4096x656xi32>
      %add3A_52 = arith.addi %iota3A, %add3A_51 : vector<4096x656xi32>
      %get3A_53 = arith.constant 0 : index
      %get3A_54 = arith.constant 0 : index
      %get3A_55 = vector.load %arg2[%get3A_53, %get3A_54] : memref<4096x1xi32, #tpu.memory_space<vmem>>, vector<4096x1xi32>
      %eq3A_56 = vector.broadcast %get3A_55 : vector<4096x1xi32> to vector<4096x656xi32>
      %eq3A_57 = arith.cmpi eq, %eq3A_56, %add3A_52 : vector<4096x656xi32>
      %convert_element_type3A_58 = arith.extui %eq3A_57 : vector<4096x656xi1> to vector<4096x656xi32>
      %convert_element_type3A_59 = arith.sitofp %convert_element_type3A_58 : vector<4096x656xi32> to vector<4096x656xf32>
      %convert_element_type3A_60 = arith.truncf %convert_element_type3A_59 : vector<4096x656xf32> to vector<4096x656xbf16>
      %get3A_61 = arith.constant 0 : index
      %get3A_62 = arith.constant 0 : index
      %get3A_63 = vector.load %arg3[%get3A_61, %get3A_62] : memref<4096x1024xbf16, #tpu.memory_space<vmem>>, vector<4096x1024xbf16>
      %dot_general3A_64 = arith.constant dense<0.000000e+00> : vector<656x1024xf32>
      %dot_general3A_65 = tpu.matmul %convert_element_type3A_60, %get3A_63, %dot_general3A_64 {dimension_numbers = #tpu.dot_dimension_numbers<[0], [0], [1], [1], [0, 1, 1, 1], [], []>, transpose_lhs_hint = false} : vector<4096x656xbf16>, vector<4096x1024xbf16>, vector<656x1024xf32> -> vector<656x1024xf32>
      %convert_element_type3A_66 = arith.truncf %dot_general3A_65 : vector<656x1024xf32> to vector<656x1024xbf16>
      %swap3A = arith.constant 0 : index
      %swap3A_67 = arith.constant 0 : index
      %swap3A_68 = vector.load %arg9[%swap3A, %swap3A_67] : memref<656x1024xbf16, #tpu.memory_space<vmem>>, vector<656x1024xbf16>
      tpu.vector_store %arg9[%swap3A, %swap3A_67], %convert_element_type3A_66 {strides = array<i32>} : memref<656x1024xbf16, #tpu.memory_space<vmem>>, vector<656x1024xbf16>,
    } else {
    }
    %get3A = arith.constant 0 : index
    %get3A_2 = arith.constant 0 : index
    %get3A_3 = vector.load %arg9[%get3A, %get3A_2] : memref<656x1024xbf16, #tpu.memory_space<vmem>>, vector<656x1024xbf16>
    %get3A_4 = arith.constant 0 : index
    %get3A_5 = arith.constant 0 : index
    %get3A_6 = arith.constant 0 : index
    %get3A_7 = vector.load %arg4[%get3A_4, %get3A_5, %get3A_6] : memref<1x1024x1024xf32, #tpu.memory_space<vmem>>, vector<1x1024x1024xf32>
    %get3A_8 = vector.shape_cast %get3A_7 : vector<1x1024x1024xf32> to vector<1024x1024xf32>
    %convert_element_type3A_9 = arith.truncf %get3A_8 : vector<1024x1024xf32> to vector<1024x1024xbf16>
    %dot_general3A = arith.constant dense<0.000000e+00> : vector<656x1024xf32>
    %dot_general3A_10 = tpu.matmul %get3A_3, %convert_element_type3A_9, %dot_general3A {dimension_numbers = #tpu.dot_dimension_numbers<[1], [1], [0], [0], [0, 0, 1, 0], [], []>, transpose_lhs_hint = false} : vector<656x1024xbf16>, vector<1024x1024xbf16>, vector<656x1024xf32> -> vector<656x1024xf32>
    %get3A_11 = arith.constant 0 : index
    %get3A_12 = arith.constant 0 : index
    %get3A_13 = arith.constant 0 : index
    %get3A_14 = vector.load %arg5[%get3A_11, %get3A_12, %get3A_13] : memref<1x1x1024xf32, #tpu.memory_space<vmem>>, vector<1x1x1024xf32>
    %get3A_15 = vector.shape_cast %get3A_14 : vector<1x1x1024xf32> to vector<1x1024xf32>
    %add3A = vector.broadcast %get3A_15 : vector<1x1024xf32> to vector<656x1024xf32>
    %add3A_16 = arith.addf %dot_general3A_10, %add3A : vector<656x1024xf32>
    %mul3A = arith.constant 5.000000e-01 : f32
    %mul3A_17 = vector.broadcast %mul3A : f32 to vector<656x1024xf32>
    %mul3A_18 = arith.mulf %mul3A_17, %add3A_16 : vector<656x1024xf32>
    %mul3A_19 = arith.constant 0.707106769 : f32
    %mul3A_20 = vector.broadcast %mul3A_19 : f32 to vector<656x1024xf32>
    %mul3A_21 = arith.mulf %add3A_16, %mul3A_20 : vector<656x1024xf32>
    %erf3A = math.erf %mul3A_21 : vector<656x1024xf32>
    %add3A_22 = arith.constant 1.000000e+00 : f32
    %add3A_23 = vector.broadcast %add3A_22 : f32 to vector<656x1024xf32>
    %add3A_24 = arith.addf %add3A_23, %erf3A : vector<656x1024xf32>
    %mul3A_25 = arith.mulf %mul3A_18, %add3A_24 : vector<656x1024xf32>
    %convert_element_type3A_26 = arith.truncf %mul3A_25 : vector<656x1024xf32> to vector<656x1024xbf16>
    %get3A_27 = arith.constant 0 : index
    %get3A_28 = arith.constant 0 : index
    %get3A_29 = arith.constant 0 : index
    %get3A_30 = vector.load %arg6[%get3A_27, %get3A_28, %get3A_29] : memref<1x1024x1024xf32, #tpu.memory_space<vmem>>, vector<1x1024x1024xf32>
    %get3A_31 = vector.shape_cast %get3A_30 : vector<1x1024x1024xf32> to vector<1024x1024xf32>
    %convert_element_type3A_32 = arith.truncf %get3A_31 : vector<1024x1024xf32> to vector<1024x1024xbf16>
    %dot_general3A_33 = arith.constant dense<0.000000e+00> : vector<656x1024xf32>
    %dot_general3A_34 = tpu.matmul %convert_element_type3A_26, %convert_element_type3A_32, %dot_general3A_33 {dimension_numbers = #tpu.dot_dimension_numbers<[1], [1], [0], [0], [0, 0, 1, 0], [], []>, transpose_lhs_hint = false} : vector<656x1024xbf16>, vector<1024x1024xbf16>, vector<656x1024xf32> -> vector<656x1024xf32>
    %eq3A_35 = arith.constant 0 : i32
    %eq3A_36 = arith.cmpi eq, %arg1, %eq3A_35 : i32
    %convert_element_type3A_37 = arith.extui %eq3A_36 : i1 to i32
    %cond3A_38 = arith.constant 0 : i32
    %cond3A_39 = arith.cmpi ne, %convert_element_type3A_37, %cond3A_38 : i32
    scf.if %cond3A_39 {
      %get3A_49 = arith.constant 0 : index
      %get3A_50 = arith.constant 0 : index
      %get3A_51 = arith.constant 0 : index
      %get3A_52 = vector.load %arg7[%get3A_49, %get3A_50, %get3A_51] : memref<1x1x1024xf32, #tpu.memory_space<vmem>>, vector<1x1x1024xf32>
      %get3A_53 = vector.shape_cast %get3A_52 : vector<1x1x1024xf32> to vector<1x1024xf32>
      %add3A_54 = vector.broadcast %get3A_53 : vector<1x1024xf32> to vector<656x1024xf32>
      %add3A_55 = arith.addf %dot_general3A_34, %add3A_54 : vector<656x1024xf32>
      %swap3A = arith.constant 0 : index
      %swap3A_56 = arith.constant 0 : index
      %swap3A_57 = vector.load %arg10[%swap3A, %swap3A_56] : memref<656x1024xf32, #tpu.memory_space<vmem>>, vector<656x1024xf32>
      tpu.vector_store %arg10[%swap3A, %swap3A_56], %add3A_55 {strides = array<i32>} : memref<656x1024xf32, #tpu.memory_space<vmem>>, vector<656x1024xf32>,
    } else {
    }
    %gt3A = arith.constant 0 : i32
    %gt3A_40 = arith.cmpi sgt, %arg1, %gt3A : i32
    %convert_element_type3A_41 = arith.extui %gt3A_40 : i1 to i32
    %cond3A_42 = arith.constant 0 : i32
    %cond3A_43 = arith.cmpi ne, %convert_element_type3A_41, %cond3A_42 : i32
    scf.if %cond3A_43 {
      %get3A_49 = arith.constant 0 : index
      %get3A_50 = arith.constant 0 : index
      %get3A_51 = vector.load %arg10[%get3A_49, %get3A_50] : memref<656x1024xf32, #tpu.memory_space<vmem>>, vector<656x1024xf32>
      %add3A_52 = arith.addf %get3A_51, %dot_general3A_34 : vector<656x1024xf32>
      %swap3A = arith.constant 0 : index
      %swap3A_53 = arith.constant 0 : index
      %swap3A_54 = vector.load %arg10[%swap3A, %swap3A_53] : memref<656x1024xf32, #tpu.memory_space<vmem>>, vector<656x1024xf32>
      tpu.vector_store %arg10[%swap3A, %swap3A_53], %add3A_52 {strides = array<i32>} : memref<656x1024xf32, #tpu.memory_space<vmem>>, vector<656x1024xf32>,
    } else {
    }
    %eq3A_44 = arith.constant 3 : i32
    %eq3A_45 = arith.cmpi eq, %arg1, %eq3A_44 : i32
    %convert_element_type3A_46 = arith.extui %eq3A_45 : i1 to i32
    %cond3A_47 = arith.constant 0 : i32
    %cond3A_48 = arith.cmpi ne, %convert_element_type3A_46, %cond3A_47 : i32
    scf.if %cond3A_48 {
      %iota3A = tpu.iota {dimensions = array<i32: 0>} : vector<656x1024xi32>
      %lt3A = arith.constant 640 : i32
      %lt3A_49 = vector.broadcast %lt3A : i32 to vector<656x1024xi32>
      %lt3A_50 = arith.cmpi slt, %iota3A, %lt3A_49 : vector<656x1024xi32>
      %get3A_51 = arith.constant 0 : index
      %get3A_52 = arith.constant 0 : index
      %get3A_53 = vector.load %arg10[%get3A_51, %get3A_52] : memref<656x1024xf32, #tpu.memory_space<vmem>>, vector<656x1024xf32>
      %jit3A = arith.constant 0.000000e+00 : f32
      %broadcast_in_dim3A = vector.broadcast %jit3A : f32 to vector<656x1024xf32>
      %select_n3A = arith.select %lt3A_50, %get3A_53, %broadcast_in_dim3A : vector<656x1024xi1>, vector<656x1024xf32>
      %convert_element_type3A_54 = arith.truncf %select_n3A : vector<656x1024xf32> to vector<656x1024xbf16>
      %slice3A = vector.extract_strided_slice %convert_element_type3A_54 {offsets = [0, 0], sizes = [656, 512], strides = [1, 1]} : vector<656x1024xbf16> to vector<656x512xbf16>
      %slice3A_55 = vector.extract_strided_slice %convert_element_type3A_54 {offsets = [0, 512], sizes = [656, 512], strides = [1, 1]} : vector<656x1024xbf16> to vector<656x512xbf16>
      %bitcast3A = tpu.bitcast %slice3A : vector<656x512xbf16> -> vector<656x512xi16>
      %convert_element_type3A_56 = arith.extui %bitcast3A : vector<656x512xi16> to vector<656x512xi32>
      %bitcast3A_57 = tpu.bitcast %slice3A_55 : vector<656x512xbf16> -> vector<656x512xi16>
      %convert_element_type3A_58 = arith.extui %bitcast3A_57 : vector<656x512xi16> to vector<656x512xi32>
      %shift_left3A = arith.constant 16 : i32
      %shift_left3A_59 = vector.broadcast %shift_left3A : i32 to vector<656x512xi32>
      %shift_left3A_60 = arith.shli %convert_element_type3A_58, %shift_left3A_59 : vector<656x512xi32>
      %or3A = arith.ori %convert_element_type3A_56, %shift_left3A_60 : vector<656x512xi32>
      %bitcast3A_61 = tpu.bitcast %or3A : vector<656x512xi32> -> vector<656x512xf32>
      %swap3A = arith.constant 0 : index
      %swap3A_62 = arith.constant 0 : index
      %swap3A_63 = arith.constant 0 : index
      %swap3A_64 = vector.load %arg8[%swap3A, %swap3A_62, %swap3A_63] : memref<1x656x512xf32, #tpu.memory_space<vmem>>, vector<1x656x512xf32>
      %swap3A_65 = vector.shape_cast %swap3A_64 : vector<1x656x512xf32> to vector<656x512xf32>
      %swap3A_66 = vector.shape_cast %bitcast3A_61 : vector<656x512xf32> to vector<1x656x512xf32>
      tpu.vector_store %arg8[%swap3A, %swap3A_62, %swap3A_63], %swap3A_66 {strides = array<i32>} : memref<1x656x512xf32, #tpu.memory_space<vmem>>, vector<1x656x512xf32>,
    } else {
    }
    return
  }
  func.func @transform_0(%arg0: i32, %arg1: i32) -> (i32, i32) {
    %c0_i32 = arith.constant 0 : i32
    %c0_i32_0 = arith.constant 0 : i32
    %c0_i32_1 = arith.constant 0 : i32
    return %c0_i32, %c0_i32_0 : i32, i32
  }
  func.func @transform_1(%arg0: i32, %arg1: i32) -> (i32, i32) {
    %c0_i32 = arith.constant 0 : i32
    %c0_i32_0 = arith.constant 0 : i32
    %c0_i32_1 = arith.constant 0 : i32
    return %c0_i32, %c0_i32_0 : i32, i32
  }
  func.func @transform_2(%arg0: i32, %arg1: i32) -> (i32, i32, i32) {
    %c0_i32 = arith.constant 0 : i32
    %c0_i32_0 = arith.constant 0 : i32
    return %arg0, %arg1, %c0_i32 : i32, i32, i32
  }
  func.func @transform_3(%arg0: i32, %arg1: i32) -> (i32, i32, i32) {
    %c0_i32 = arith.constant 0 : i32
    %c0_i32_0 = arith.constant 0 : i32
    return %arg0, %c0_i32, %arg1 : i32, i32, i32
  }
  func.func @transform_4(%arg0: i32, %arg1: i32) -> (i32, i32, i32) {
    %c0_i32 = arith.constant 0 : i32
    %c0_i32_0 = arith.constant 0 : i32
    return %arg0, %c0_i32, %arg1 : i32, i32, i32
  }
  func.func @transform_5(%arg0: i32, %arg1: i32) -> (i32, i32, i32) {
    %c0_i32 = arith.constant 0 : i32
    %c0_i32_0 = arith.constant 0 : i32
    %c0_i32_1 = arith.constant 0 : i32
    return %arg0, %c0_i32, %c0_i32_0 : i32, i32, i32
  }
  func.func @transform_6(%arg0: i32, %arg1: i32) -> (i32, i32, i32) {
    %c0_i32 = arith.constant 0 : i32
    %c0_i32_0 = arith.constant 0 : i32
    %c0_i32_1 = arith.constant 0 : i32
    return %arg0, %c0_i32, %c0_i32_0 : i32, i32, i32
  }
}

</mosaic_0001>

<sc_bundles>
// kernel: kernel.5.cloned.1.call-start
scs
__scs_entry_jumppad:
0x0: {  	(pc) =	sbr.rel $0x88, $3  }
0x1: {  	(tag) =	ssettag $0x0;
	lr =	simm.s32 $0x1  }
0x2: {  	[smem:$0x3F9B] =	sst lr;
	_ =	strace $0xD0000000  }
0x3: {  	_ = 	snop  }
0x4: {  	_ = 	snop  }
0x5: {  	_ = 	snop  }
0x6: {  	_ = 	snop  }
0x7: {  	_ = 	snop  }
__scs_overlays_trampoline_lowered:
0x8: {  	[smem:$0x3FAA] =	sst s0  }
0x9: {  	[smem:$0x3FAB] =	sst s1  }
0xa: {  	[smem:$0x3FAC] =	sst s2  }
0xb: {  	[smem:$0x3FAD] =	sst s3  }
0xc: {  	[smem:$0x3FAE] =	sst s4  }
0xd: {  	[smem:$0x3FAF] =	sst s5  }
0xe: {  	[smem:$0x3FB0] =	sst s6  }
0xf: {  	[smem:$0x3FB1] =	sst s7  }
0x10: {  	[smem:$0x3FB2] =	sst s8  }
0x11: {  	[smem:$0x3FB3] =	sst s9;
	s0 =	simm.s32 @!p0 $0x0  }
0x12: {  	s1 =	sld [smem:$0x3F99];
	s0 =	simm.s32 @p0 $0x1  }
0x13: {  	[smem:$0x3FB4] =	sst s0;
	s0 =	simm.s32 @!p1 $0x0  }
0x14: {  	s2 =	sld [smem:$0x3F98];
	s0 =	simm.s32 @p1 $0x1  }
0x15: {  	[smem:$0x3FB5] =	sst s0;
	s0 =	simm.s32 @!p2 $0x0  }
0x16: {  	s3 =	sld [smem:$0x3FDB];
	s0 =	simm.s32 @p2 $0x1  }
0x17: {  	s4 =	simm.s32 $0x1BF5;
	[smem:$0x3FB7] =	sst s0  }
0x18: {  	s0 =	sld [smem:$0x3F9A];
	_ =	swait.ge [sflag:s4], $0x0  }
0x19: {  	s7 =	sld [smem:$0x3F9B]  }
0x1a: {  	s8 =	sadd.s32 $0xFFFFE003, lr  }
0x1b: {  	s9 =	sadd.s32 $0xFFFFFEF7, lr;
	s5 =	simm.s32 $0xFFFFFFFF;
	p2 =	slt.u32 s8, $0xFFFFF086  }
0x1c: {  	p1 =	slt.u32 s9, $0xF7A;
	s5 =	simm.s32 @!p2 $0x0  }
0x1d: {  	s5 =	simm.s32 @p1 $0x1;
	p0 =	seq.s32 s7, s2  }
0x1e: {  	s7 =	smul.u32 @!p0 $0xF7A, s2;
	p2 =	seq.s32 @!p0 s5, $0x0  }
0x1f: {  	s9 =	smul.u32 $0xF7A, s1;
	s8 =	simm.s32 @!p0 $0x1BF5;
	p2 =	por !p2, p0  }
0x20: {  	[sflag:s8] =	ssyncset.s32 @!p0 $0xFFFFF086;
	s6 =	sadd.s32 @!p0 s3, s7;
	s7 =	simm.s32 @!p0 $0x108  }
0x21: {  	s3 =	sadd.s32 s3, s9;
	s6 =	sadd.s32 @!p0 $0x88, s6;
	s7 =	simm.s32 @p2 $0x1082  }
0x22: {  	[simem:s7], [sflag:s8] =	dma.local @!p0 [hbm:s6], $0xF7A  }
0x23: {  	s9 =	sor.u32 $0xD0000000, s2;
	s6 =	simm.s32 $0x108;
	_ =	swait.ge @!p0 [sflag:s8], $0x0  }
0x24: {  	s3 =	sadd.s32 $0x88, s3;
	s6 =	simm.s32 @!p1 $0x1082;
	[sflag:s4] =	ssyncset.s32 $0xFFFFF086  }
0x25: {  	[simem:s6], [sflag:s4] =	dma.local [hbm:s3], $0xF7A  }
0x26: {  	[smem:$0x3F9B] =	sst s1;
	(tag) =	ssettag s2;
	_ =	strace s9  }
0x27: {  	s1 =	sld [smem:$0x3FAB]  }
0x28: {  	s2 =	sld [smem:$0x3FAC]  }
0x29: {  	s4 =	sld [smem:$0x3FAE]  }
0x2a: {  	p0 =	seq.s32 s5, $0x0;
	s5 =	sld [smem:$0x3FAF]  }
0x2b: {  	s6 =	sld [smem:$0x3FB0]  }
0x2c: {  	s7 =	sld [smem:$0x3FB1]  }
0x2d: {  	s3 =	simm.s32 $0x108;
	s8 =	sld [smem:$0x3FB2]  }
0x2e: {  	s3 =	simm.s32 @!p0 $0x1082;
	s9 =	sld [smem:$0x3FB3]  }
0x2f: {  	lr =	sadd.s32 s0, s3;
	s0 =	sld [smem:$0x3FAA]  }
0x30: {  	s3 =	sld [smem:$0x3FAD]  }
0x31: {  	[smem:$0x3FB6] =	sst s10  }
0x32: {  	s10 =	sld [smem:$0x3FB4];
	_ =	sdelay $0x3  }
0x33: {  	p0 =	seq.s32 s10, $0x1;
	s10 =	sld [smem:$0x3FB6];
	_ =	sdelay $0x3  }
0x34: {  	[smem:$0x3FB6] =	sst s10  }
0x35: {  	s10 =	sld [smem:$0x3FB5];
	_ =	sdelay $0x3  }
0x36: {  	p1 =	seq.s32 s10, $0x1;
	s10 =	sld [smem:$0x3FB6];
	_ =	sdelay $0x3  }
0x37: {  	[smem:$0x3FB6] =	sst s10  }
0x38: {  	s10 =	sld [smem:$0x3FB7]  }
0x39: {  	_ = 	snop;
	(pc) =	sbr.ind lr, $3  }
0x3a: {  	_ = 	snop  }
0x3b: {  	_ = 	snop  }
0x3c: {  	p2 =	seq.s32 s10, $0x1;
	s10 =	sld [smem:$0x3FB6]  }
0x3d: {  	_ =	shalt  }
0x3e: {  	_ =	shalt  }
0x3f: {  	_ =	shalt  }
0x40: {  	_ =	shalt  }
0x41: {  	_ =	shalt  }
0x42: {  	_ =	shalt  }
0x43: {  	_ =	shalt  }
0x44: {  	_ =	shalt  }
0x45: {  	_ =	shalt  }
0x46: {  	_ =	shalt  }
0x47: {  	_ =	shalt  }
0x48: {  	_ =	shalt  }
0x49: {  	_ =	shalt  }
0x4a: {  	_ =	shalt  }
0x4b: {  	_ =	shalt  }
0x4c: {  	_ =	shalt  }
0x4d: {  	_ =	shalt  }
0x4e: {  	_ =	shalt  }
0x4f: {  	_ =	shalt  }
0x50: {  	_ =	shalt  }
0x51: {  	_ =	shalt  }
0x52: {  	_ =	shalt  }
0x53: {  	_ =	shalt  }
0x54: {  	_ =	shalt  }
0x55: {  	_ =	shalt  }
0x56: {  	_ =	shalt  }
0x57: {  	_ =	shalt  }
0x58: {  	_ =	shalt  }
0x59: {  	_ =	shalt  }
0x5a: {  	_ =	shalt  }
0x5b: {  	_ =	shalt  }
0x5c: {  	_ =	shalt  }
0x5d: {  	_ =	shalt  }
0x5e: {  	_ =	shalt  }
0x5f: {  	_ =	shalt  }
0x60: {  	_ =	shalt  }
0x61: {  	_ =	shalt  }
0x62: {  	_ =	shalt  }
0x63: {  	_ =	shalt  }
0x64: {  	_ =	shalt  }
0x65: {  	_ =	shalt  }
0x66: {  	_ =	shalt  }
0x67: {  	_ =	shalt  }
0x68: {  	_ =	shalt  }
0x69: {  	_ =	shalt  }
0x6a: {  	_ =	shalt  }
0x6b: {  	_ =	shalt  }
0x6c: {  	_ =	shalt  }
0x6d: {  	_ =	shalt  }
0x6e: {  	_ =	shalt  }
0x6f: {  	_ =	shalt  }
0x70: {  	_ =	shalt  }
0x71: {  	_ =	shalt  }
0x72: {  	_ =	shalt  }
0x73: {  	_ =	shalt  }
0x74: {  	_ =	shalt  }
0x75: {  	_ =	shalt  }
0x76: {  	_ =	shalt  }
0x77: {  	_ =	shalt  }
0x78: {  	_ =	shalt  }
0x79: {  	_ =	shalt  }
0x7a: {  	_ =	shalt  }
0x7b: {  	_ =	shalt  }
0x7c: {  	_ =	shalt  }
0x7d: {  	_ =	shalt  }
0x7e: {  	_ =	shalt  }
0x7f: {  	_ =	shalt  }
0x80: {  	_ =	shalt  }
0x81: {  	_ =	shalt  }
0x82: {  	_ =	shalt  }
0x83: {  	_ =	shalt  }
0x84: {  	_ =	shalt  }
0x85: {  	_ =	shalt  }
0x86: {  	_ =	shalt  }
0x87: {  	_ =	shalt  }
.Lfunc_end0:
.L_simem_size_0:
called_computation_lowered:
.L_overlay_start_0:
0x88: {  	s2 =	sld [smem:$0x3FD9]  }
0x89: {  	s3 =	sld [smem:$0x3FFE];
	_ =	sdelay $0x1  }
0x8a: {  	s1 =	srdreg.scid  }
0x8b: {  	s0 =	sand.u32 $0x1, s1  }
0x8c: {  	s14 =	sshll.u32 s0, $0xA;
	s2 =	sadd.s32 s3, s2  }
0x8d: {  	s2 =	sadd.s32 s2, s14  }
0x8e: {  	[smem:$0x3FC2] =	sst s2  }
0x8f: {  	_ = 	snop  }
0x90: {  	s2 =	sld [smem:$0x3FD0];
	_ =	sdelay $0x2  }
0x91: {  	s15 =	simm.s32 $0xA;
	s4 =	simm.s32 $0x10  }
0x92: {  	[smem:s4], [sflag:s15] =	dma.local [hbm:s2], $0x1  }
0x93: {  	_ =	swait.eq [sflag:s15], $0x1  }
0x94: {  	[sflag:s15] =	ssyncset.done $0x0  }
0x95: {  	[sflag:s15] =	ssyncadd.s32 $0xFFFFFFFF  }
0x96: {  	s16 =	sld [smem:$0x10];
	(tm) =	ssettm $0x1  }
0x97: {  	s17 =	sld [smem:$0x3FFB];
	_ =	sdelay $0x3  }
0x98: {  	_ =	strace s17  }
0x99: {  	s3 =	sld [smem:$0x3FFC];
	_ =	sdelay $0x3  }
0x9a: {  	_ =	strace s3  }
0x9b: {  	s3 =	sld [smem:$0x3FFD];
	_ =	sdelay $0x3  }
0x9c: {  	_ =	strace s3  }
0x9d: {  	_ =	strace $0x8FFFFFFF  }
0x9e: {  	s18 =	sld [smem:$0x3FDB];
	_ =	sdelay $0x1  }
0x9f: {  	s19 =	simm.s32 $_scs_section_size  }
0xa0: {  	s5 =	simm.s32 $_size__tile_overlayer_lowered;
	s6 =	simm.s32 $_tile_overlayer_lowered  }
0xa1: {  	s22 =	simm.s32 $0x1BFF;
	s21 =	sshll.u32 s6, $0x1;
	s3 =	sadd.s32 s19, s18  }
0xa2: {  	s7 =	simm.s32 $0x0;
	s20 =	sshll.u32 s5, $0x1;
	s5 =	sadd.s32 s21, s3  }
0xa3: {  	[timem:s7], [sflag:s22] =	dma.local [hbm:s5], s20  }
0xa4: {  	_ =	swait.ge [sflag:s22], s20  }
0xa5: {  	s4 =	ssub.s32 $0x0, s20;
	[sflag:s22] =	ssyncset.done $0x0  }
0xa6: {  	[sflag:s22] =	ssyncadd.s32 s4;
	_ =	sdelay $0x1  }
0xa7: {  	s23 =	simm.s32 $0x1B8B  }
0xa8: {  	_ =	swait.ge [sflag:s23], $0x1  }
0xa9: {  	[sflag:s23] =	ssyncset.done $0x0  }
0xaa: {  	s25 =	simm.s32 $0x1B8E;
	s24 =	sld [smem:$0x3FFE];
	[sflag:s23] =	ssyncadd.s32 $0xFFFFFFFF  }
0xab: {  	s26 =	simm.s32 $execute0_lowered;
	[smem:$0x3FD2] =	sst s25  }
0xac: {  	s5 =	sshll.u32 s26, $0x1;
	_ =	strace $0x80000046;
	[dreg:$0x1] =	wrdreg $0xFFFFFFFF  }
0xad: {  	s28 =	simm.s32 $_size_execute0_lowered;
	s3 =	sadd.s32 s3, s5;
	[dreg:$0x0] =	wrdreg $0x0  }
0xae: {  	s5 =	sshll.u32 s28, $0x1;
	[dreg:$0x2] =	wrdreg s3  }
0xaf: {  	[dreg:$0x3] =	wrdreg s5  }
0xb0: {  	[dreg:$0x4] =	wrdreg $0xC0  }
0xb1: {  	_ =	task [dreg:s7], $0x5FFFF  }
0xb2: {  	[dreg:$0x1] =	wrdreg $0xFFFFFFFF  }
0xb3: {  	[dreg:$0x0] =	wrdreg $0x60  }
0xb4: {  	[dreg:$0x2] =	wrdreg s16  }
0xb5: {  	[dreg:$0x3] =	wrdreg s24  }
0xb6: {  	[dreg:$0x4] =	wrdreg $0x9  }
0xb7: {  	_ =	task.clear_ibuf [dreg:s7], $0x5FFFF;
	_ =	strace $0x90000046  }
0xb8: {  	s29 =	simm.s32 $0x9;
	_ =	strace $0x80000048  }
0xb9: {  	_ =	swait.ge [sflag:s29], $0x1  }
0xba: {  	[sflag:s29] =	ssyncadd.s32 $0xFFFFFFFF  }
0xbb: {  	_ =	strace $0x90000048  }
0xbc: {  	_ =	sfence  }
0xbd: {  	s30 =	sld [smem:$0x0];
	_ =	sdelay $0x2  }
0xbe: {  	s31 =	sshll.u32 s1, $0xD;
	s1 =	sshrl.u32 s1, $0x2  }
0xbf: {  	s3 =	sand.u32 $0x4000, s31;
	s1 =	sadd.s32 s1, s30  }
0xc0: {  	s0 =	sor.u32 s3, s0;
	s1 =	sshll.u32 s1, $0x11  }
0xc1: {  	s0 =	sor.u32 s1, s0  }
0xc2: {  	s0 =	sadd.s32 $0x8F2B, s0  }
0xc3: {  	[sflag:s0] =	ssyncadd.remote.s32 $0x1  }
0xc4: {  	_ =	sfence.sel $0xFFFF  }
0xc5: {  	[dreg:$0x0] =	wrdreg $0xFFFFFFFF;
	(pc) =	sbr.abs _section_cstart, $3  }
0xc6: {  	[dreg:$0x1] =	wrdreg $0xFFFFFFFF  }
0xc7: {  	_ =	task.clear_ibuf [dreg:s7], $0x2FFFF;
	_ =	strace $0x9FFFFFFF  }
0xc8: {  	(tm) =	ssettm $0x7FFFFFFF  }
0xc9: {  	_ =	shalt  }
tec
execute0_lowered:
.L_overlay_start_1:
0x0: {  	(tag) =	ssettag $0x1  }
0x1: {  	s2 =	rddreg [dreg:$0x0];
	s1 =	srdreg.scid  }
0x2: {  	s0 =	stileid.u32;
	s4 =	rddreg [dreg:$0x1];
	s3 =	simm.s32 $0x0  }
0x3: {  	s15 =	simm.s32 $0x900;
	s16 =	simm.s32 $0x1100;
	s17 =	simm.s32 $0x1900  }
0x4: {  	s18 =	simm.s32 $0x2100;
	s19 =	simm.s32 $0x2900;
	[smem:$0x7FF] =	sst s3  }
0x5: {  	s20 =	simm.s32 $0x3100;
	_ =	strace $0x80000047;
	[dreg:$0x6] =	wrdreg s15  }
0x6: {  	s21 =	simm.s32 $0x3900;
	s23 =	simm.s32 $0x4100;
	[dreg:$0x7] =	wrdreg s16  }
0x7: {  	s24 =	simm.s32 $0x4900;
	s25 =	simm.s32 $0x5100;
	[dreg:$0x8] =	wrdreg s17  }
0x8: {  	s26 =	simm.s32 $0x5900;
	s7 =	simm.s32 $0x100;
	[dreg:$0x9] =	wrdreg s18  }
0x9: {  	s9 =	simm.s32 $0x6900;
	s10 =	simm.s32 $0x7100;
	[dreg:$0xa] =	wrdreg s19  }
0xa: {  	s11 =	simm.s32 $0x7900;
	s12 =	simm.s32 $0x8100;
	[dreg:$0xb] =	wrdreg s20  }
0xb: {  	s28 =	simm.s32 $0xF900;
	s29 =	simm.s32 $0x1;
	[dreg:$0xc] =	wrdreg s21  }
0xc: {  	s30 =	simm.s32 $0x2;
	s31 =	simm.s32 $0x3;
	[dreg:$0xd] =	wrdreg s23  }
0xd: {  	s1 =	sand.u32 $0x1, s1;
	s5 =	sshll.u32 s0, $0x1;
	[dreg:$0xe] =	wrdreg s24  }
0xe: {  	s5 =	sor.u32 s1, s5;
	s1 =	ssub.s32 $0x2, s1;
	[dreg:$0xf] =	wrdreg s25  }
0xf: {  	[dreg:$0x10] =	wrdreg s26;
	s15 =	simm.s32 $0x9900;
	s16 =	simm.s32 $0xA100  }
0x10: {  	s17 =	simm.s32 $0xA900;
	s18 =	simm.s32 $0xB100;
	s19 =	simm.s32 $0xB900  }
0x11: {  	s20 =	simm.s32 $0xC100;
	s21 =	simm.s32 $0xC900;
	s23 =	simm.s32 $0xD900  }
0x12: {  	s24 =	simm.s32 $0xE100;
	s25 =	simm.s32 $0xE900;
	s26 =	simm.s32 $0xF100  }
0x13: {  	s6 =	sshll.u32 s5, $0xD;
	s5 =	sshll.u32 s5, $0x5;
	s22 =	sshrl.u32 s1, $0x1  }
0x14: {  	s6 =	sadd.s32 s6, s4;
	s4 =	sadd.s32 s4, s5;
	s1 =	ssub.s32 s1, s22  }
0x15: {  	s22 =	simm.s32 $0xD100;
	[dreg:$0x3] =	wrdreg s4;
	s13 =	sadd.s32 $0x400, s6  }
0x16: {  	v2 =	vlaneseq.u32;
	s14 =	sadd.s32 $0x1400, s6;
	s4 =	sadd.s32 $0x100, s2;
	s5 =	smax.u32 s1, $0x1  }
0x17: {  	vm0 =	vmmov $0xffff;
	v1 =	vshrl.u32 v2, $0x3;
	s6 =	simm.s32 $0x5;
	s1 =	simm.s32 $0x4;
	[dreg:$0x4] =	wrdreg s13  }
0x18: {  	v0 =	vand.u32 $0x7, v2;
	v2 =	vor.u32 $0x8, v2;
	v1 =	vmul.u32 $0x8, v1;
	[dreg:$0x5] =	wrdreg s14;
	s13 =	simm.s32 $0x8900;
	s14 =	simm.s32 $0x9100  }
.LBB2_1:
0x19: {  	s0 =	rddreg [dreg:$0x3]  }
0x1a: {  	[tilespmem:s3], [sflag:$0x5] =	stream.linear.gather [hbm4b:s0+s3], $0x100, $0x38;
	[tilespmem:$0x10100] =	vst v63  }
0x1b: {  	_ =	swait.ge [sflag:s6], $0x100  }
0x1c: {  	[sflag:s6] =	ssyncset.done $0x0  }
0x1d: {  	[sflag:s6] =	ssyncadd.s32 $0xFFFFFF00  }
0x1e: {  	v3 =	vld [tilespmem:$0x0];
	_ =	sdelay $0x4  }
0x1f: {  	v4 =	vshll.u32 v3, $0x2  }
0x20: {  	v3 =	vand.u32 $0x7, v3;
	v4 =	vand.u32 $0xFFFFFFE0, v4  }
0x21: {  	v3 =	vor.u32 v3, v4  }
0x22: {  	v4 =	vperm.xlane v3, v0;
	_ =	sdelay $0x1  }
0x23: {  	v4 =	vadd.s32 v1, v4;
	_ =	sdelay $0x1  }
0x24: {  	v3 =	vperm.xlane v3, v2;
	_ =	sdelay $0x1  }
0x25: {  	v3 =	vadd.s32 v1, v3  }
0x26: {  	[tilespmem:s7], [sflag:$0x1] =	stream.indirect_vreg.gather [hbm4b:s2+s3], $0x80, v4, vm0, $0xb8;
	[tilespmem:$0x10100] =	vst v63  }
0x27: {  	s0 =	rddreg [dreg:$0x6]  }
0x28: {  	[tilespmem:s0], [sflag:$0x1] =	stream.indirect_vreg.gather [hbm4b:s4+s3], $0x80, v4, vm0, $0xb8;
	[tilespmem:$0x10100] =	vst v63  }
0x29: {  	s8 =	rddreg [dreg:$0x7]  }
0x2a: {  	[tilespmem:s8], [sflag:$0x1] =	stream.indirect_vreg.gather [hbm4b:s2+s3], $0x80, v3, vm0, $0xb8;
	[tilespmem:$0x10100] =	vst v63  }
0x2b: {  	s0 =	rddreg [dreg:$0x8]  }
0x2c: {  	[tilespmem:s0], [sflag:$0x1] =	stream.indirect_vreg.gather [hbm4b:s4+s3], $0x80, v3, vm0, $0xb8;
	[tilespmem:$0x10100] =	vst v63  }
0x2d: {  	v3 =	vld [tilespmem:$0x10];
	_ =	sdelay $0x4  }
0x2e: {  	v57 =	vshll.u32 v3, $0x2  }
0x2f: {  	v3 =	vand.u32 $0x7, v3;
	v4 =	vand.u32 $0xFFFFFFE0, v57  }
0x30: {  	v3 =	vor.u32 v3, v4  }
0x31: {  	v4 =	vperm.xlane v3, v0;
	_ =	sdelay $0x1  }
0x32: {  	v4 =	vadd.s32 v1, v4;
	_ =	sdelay $0x1  }
0x33: {  	v3 =	vperm.xlane v3, v2;
	_ =	sdelay $0x1  }
0x34: {  	s0 =	rddreg [dreg:$0x9];
	v3 =	vadd.s32 v1, v3  }
0x35: {  	[tilespmem:s0], [sflag:$0x1] =	stream.indirect_vreg.gather [hbm4b:s2+s3], $0x80, v4, vm0, $0xb8;
	[tilespmem:$0x10100] =	vst v63  }
0x36: {  	s8 =	rddreg [dreg:$0xa]  }
0x37: {  	[tilespmem:s8], [sflag:$0x1] =	stream.indirect_vreg.gather [hbm4b:s4+s3], $0x80, v4, vm0, $0xb8;
	[tilespmem:$0x10100] =	vst v63  }
0x38: {  	s0 =	rddreg [dreg:$0xb]  }
0x39: {  	[tilespmem:s0], [sflag:$0x1] =	stream.indirect_vreg.gather [hbm4b:s2+s3], $0x80, v3, vm0, $0xb8;
	[tilespmem:$0x10100] =	vst v63  }
0x3a: {  	s8 =	rddreg [dreg:$0xc]  }
0x3b: {  	[tilespmem:s8], [sflag:$0x1] =	stream.indirect_vreg.gather [hbm4b:s4+s3], $0x80, v3, vm0, $0xb8;
	[tilespmem:$0x10100] =	vst v63  }
0x3c: {  	v3 =	vld [tilespmem:$0x20];
	_ =	sdelay $0x4  }
0x3d: {  	v58 =	vshll.u32 v3, $0x2  }
0x3e: {  	v3 =	vand.u32 $0x7, v3;
	v4 =	vand.u32 $0xFFFFFFE0, v58  }
0x3f: {  	v3 =	vor.u32 v3, v4  }
0x40: {  	v4 =	vperm.xlane v3, v0;
	_ =	sdelay $0x1  }
0x41: {  	v4 =	vadd.s32 v1, v4;
	_ =	sdelay $0x1  }
0x42: {  	v3 =	vperm.xlane v3, v2;
	_ =	sdelay $0x1  }
0x43: {  	s0 =	rddreg [dreg:$0xd];
	v3 =	vadd.s32 v1, v3  }
0x44: {  	[tilespmem:s0], [sflag:$0x1] =	stream.indirect_vreg.gather [hbm4b:s2+s3], $0x80, v4, vm0, $0xb8;
	[tilespmem:$0x10100] =	vst v63  }
0x45: {  	s8 =	rddreg [dreg:$0xe]  }
0x46: {  	[tilespmem:s8], [sflag:$0x1] =	stream.indirect_vreg.gather [hbm4b:s4+s3], $0x80, v4, vm0, $0xb8;
	[tilespmem:$0x10100] =	vst v63  }
0x47: {  	s0 =	rddreg [dreg:$0xf]  }
0x48: {  	[tilespmem:s0], [sflag:$0x1] =	stream.indirect_vreg.gather [hbm4b:s2+s3], $0x80, v3, vm0, $0xb8;
	[tilespmem:$0x10100] =	vst v63  }
0x49: {  	s8 =	rddreg [dreg:$0x10]  }
0x4a: {  	[tilespmem:s8], [sflag:$0x1] =	stream.indirect_vreg.gather [hbm4b:s4+s3], $0x80, v3, vm0, $0xb8;
	[tilespmem:$0x10100] =	vst v63  }
0x4b: {  	v3 =	vld [tilespmem:$0x30];
	_ =	sdelay $0x4  }
0x4c: {  	v59 =	vshll.u32 v3, $0x2  }
0x4d: {  	v3 =	vand.u32 $0x7, v3;
	v4 =	vand.u32 $0xFFFFFFE0, v59  }
0x4e: {  	v3 =	vor.u32 v3, v4  }
0x4f: {  	v4 =	vperm.xlane v3, v0;
	_ =	sdelay $0x1  }
0x50: {  	v4 =	vadd.s32 v1, v4;
	_ =	sdelay $0x1  }
0x51: {  	v3 =	vperm.xlane v3, v2;
	_ =	sdelay $0x1  }
0x52: {  	s8 =	simm.s32 $0x6100;
	v3 =	vadd.s32 v1, v3  }
0x53: {  	[tilespmem:s8], [sflag:$0x1] =	stream.indirect_vreg.gather [hbm4b:s2+s3], $0x80, v4, vm0, $0xb8;
	[tilespmem:$0x10100] =	vst v63  }
0x54: {  	_ = 	snop  }
0x55: {  	[tilespmem:s9], [sflag:$0x1] =	stream.indirect_vreg.gather [hbm4b:s4+s3], $0x80, v4, vm0, $0xb8;
	[tilespmem:$0x10100] =	vst v63  }
0x56: {  	_ = 	snop  }
0x57: {  	[tilespmem:s10], [sflag:$0x1] =	stream.indirect_vreg.gather [hbm4b:s2+s3], $0x80, v3, vm0, $0xb8;
	[tilespmem:$0x10100] =	vst v63  }
0x58: {  	_ = 	snop  }
0x59: {  	[tilespmem:s11], [sflag:$0x1] =	stream.indirect_vreg.gather [hbm4b:s4+s3], $0x80, v3, vm0, $0xb8;
	[tilespmem:$0x10100] =	vst v63  }
0x5a: {  	v3 =	vld [tilespmem:$0x80];
	_ =	sdelay $0x4  }
0x5b: {  	v60 =	vshll.u32 v3, $0x2  }
0x5c: {  	v3 =	vand.u32 $0x7, v3;
	v4 =	vand.u32 $0xFFFFFFE0, v60  }
0x5d: {  	v3 =	vor.u32 v3, v4  }
0x5e: {  	v4 =	vperm.xlane v3, v0;
	_ =	sdelay $0x1  }
0x5f: {  	v4 =	vadd.s32 v1, v4;
	_ =	sdelay $0x1  }
0x60: {  	v3 =	vperm.xlane v3, v2;
	_ =	sdelay $0x1  }
0x61: {  	v3 =	vadd.s32 v1, v3  }
0x62: {  	[tilespmem:s12], [sflag:$0x2] =	stream.indirect_vreg.gather [hbm4b:s2+s3], $0x80, v4, vm0, $0xb8;
	[tilespmem:$0x10100] =	vst v63  }
0x63: {  	_ = 	snop  }
0x64: {  	[tilespmem:s13], [sflag:$0x2] =	stream.indirect_vreg.gather [hbm4b:s4+s3], $0x80, v4, vm0, $0xb8;
	[tilespmem:$0x10100] =	vst v63  }
0x65: {  	_ = 	snop  }
0x66: {  	[tilespmem:s14], [sflag:$0x2] =	stream.indirect_vreg.gather [hbm4b:s2+s3], $0x80, v3, vm0, $0xb8;
	[tilespmem:$0x10100] =	vst v63  }
0x67: {  	_ = 	snop  }
0x68: {  	[tilespmem:s15], [sflag:$0x2] =	stream.indirect_vreg.gather [hbm4b:s4+s3], $0x80, v3, vm0, $0xb8;
	[tilespmem:$0x10100] =	vst v63  }
0x69: {  	v3 =	vld [tilespmem:$0x90];
	_ =	sdelay $0x4  }
0x6a: {  	v61 =	vshll.u32 v3, $0x2  }
0x6b: {  	v3 =	vand.u32 $0x7, v3;
	v4 =	vand.u32 $0xFFFFFFE0, v61  }
0x6c: {  	v3 =	vor.u32 v3, v4  }
0x6d: {  	v4 =	vperm.xlane v3, v0;
	_ =	sdelay $0x1  }
0x6e: {  	v4 =	vadd.s32 v1, v4;
	_ =	sdelay $0x1  }
0x6f: {  	v3 =	vperm.xlane v3, v2;
	_ =	sdelay $0x1  }
0x70: {  	v3 =	vadd.s32 v1, v3  }
0x71: {  	[tilespmem:s16], [sflag:$0x2] =	stream.indirect_vreg.gather [hbm4b:s2+s3], $0x80, v4, vm0, $0xb8;
	[tilespmem:$0x10100] =	vst v63  }
0x72: {  	_ = 	snop  }
0x73: {  	[tilespmem:s17], [sflag:$0x2] =	stream.indirect_vreg.gather [hbm4b:s4+s3], $0x80, v4, vm0, $0xb8;
	[tilespmem:$0x10100] =	vst v63  }
0x74: {  	_ = 	snop  }
0x75: {  	[tilespmem:s18], [sflag:$0x2] =	stream.indirect_vreg.gather [hbm4b:s2+s3], $0x80, v3, vm0, $0xb8;
	[tilespmem:$0x10100] =	vst v63  }
0x76: {  	_ = 	snop  }
0x77: {  	[tilespmem:s19], [sflag:$0x2] =	stream.indirect_vreg.gather [hbm4b:s4+s3], $0x80, v3, vm0, $0xb8;
	[tilespmem:$0x10100] =	vst v63  }
0x78: {  	v3 =	vld [tilespmem:$0xA0];
	_ =	sdelay $0x4  }
0x79: {  	v62 =	vshll.u32 v3, $0x2  }
0x7a: {  	v3 =	vand.u32 $0x7, v3;
	v4 =	vand.u32 $0xFFFFFFE0, v62  }
0x7b: {  	v3 =	vor.u32 v3, v4  }
0x7c: {  	v4 =	vperm.xlane v3, v0;
	_ =	sdelay $0x1  }
0x7d: {  	v4 =	vadd.s32 v1, v4;
	_ =	sdelay $0x1  }
0x7e: {  	v3 =	vperm.xlane v3, v2;
	_ =	sdelay $0x1  }
0x7f: {  	v3 =	vadd.s32 v1, v3  }
0x80: {  	[tilespmem:s20], [sflag:$0x2] =	stream.indirect_vreg.gather [hbm4b:s2+s3], $0x80, v4, vm0, $0xb8;
	[tilespmem:$0x10100] =	vst v63  }
0x81: {  	_ = 	snop  }
0x82: {  	[tilespmem:s21], [sflag:$0x2] =	stream.indirect_vreg.gather [hbm4b:s4+s3], $0x80, v4, vm0, $0xb8;
	[tilespmem:$0x10100] =	vst v63  }
0x83: {  	_ = 	snop  }
0x84: {  	[tilespmem:s22], [sflag:$0x2] =	stream.indirect_vreg.gather [hbm4b:s2+s3], $0x80, v3, vm0, $0xb8;
	[tilespmem:$0x10100] =	vst v63  }
0x85: {  	_ = 	snop  }
0x86: {  	[tilespmem:s23], [sflag:$0x2] =	stream.indirect_vreg.gather [hbm4b:s4+s3], $0x80, v3, vm0, $0xb8;
	[tilespmem:$0x10100] =	vst v63  }
0x87: {  	v3 =	vld [tilespmem:$0xB0];
	_ =	sdelay $0x4  }
0x88: {  	v63 =	vshll.u32 v3, $0x2  }
0x89: {  	v3 =	vand.u32 $0x7, v3;
	v4 =	vand.u32 $0xFFFFFFE0, v63  }
0x8a: {  	v3 =	vor.u32 v3, v4  }
0x8b: {  	v4 =	vperm.xlane v3, v0;
	_ =	sdelay $0x1  }
0x8c: {  	v4 =	vadd.s32 v1, v4;
	_ =	sdelay $0x1  }
0x8d: {  	v3 =	vperm.xlane v3, v2;
	_ =	sdelay $0x1  }
0x8e: {  	v3 =	vadd.s32 v1, v3  }
0x8f: {  	[tilespmem:s24], [sflag:$0x2] =	stream.indirect_vreg.gather [hbm4b:s2+s3], $0x80, v4, vm0, $0xb8;
	[tilespmem:$0x10100] =	vst v63  }
0x90: {  	_ = 	snop  }
0x91: {  	[tilespmem:s25], [sflag:$0x2] =	stream.indirect_vreg.gather [hbm4b:s4+s3], $0x80, v4, vm0, $0xb8;
	[tilespmem:$0x10100] =	vst v63  }
0x92: {  	_ = 	snop  }
0x93: {  	[tilespmem:s26], [sflag:$0x2] =	stream.indirect_vreg.gather [hbm4b:s2+s3], $0x80, v3, vm0, $0xb8;
	[tilespmem:$0x10100] =	vst v63  }
0x94: {  	_ = 	snop  }
0x95: {  	[tilespmem:s28], [sflag:$0x2] =	stream.indirect_vreg.gather [hbm4b:s4+s3], $0x80, v3, vm0, $0xb8;
	[tilespmem:$0x10100] =	vst v63  }
0x96: {  	_ =	swait.ge [sflag:s29], $0x8000  }
0x97: {  	[sflag:s29] =	ssyncset.done $0x0  }
0x98: {  	s8 =	rddreg [dreg:$0x4];
	[sflag:s29] =	ssyncadd.s32 $0xFFFF8000  }
0x99: {  	[hbm4b:s8+s3] =	stream.linear.scatter [tilespmem:s7], [sflag:$0x3], $0x8000, $0x38;
	[tilespmem:$0x10100] =	vst v63  }
0x9a: {  	_ =	swait.ge [sflag:s30], $0x8000  }
0x9b: {  	[sflag:s30] =	ssyncset.done $0x0  }
0x9c: {  	s8 =	rddreg [dreg:$0x5];
	[sflag:s30] =	ssyncadd.s32 $0xFFFF8000  }
0x9d: {  	[hbm4b:s8+s3] =	stream.linear.scatter [tilespmem:s12], [sflag:$0x4], $0x8000, $0x38;
	[tilespmem:$0x10100] =	vst v63  }
0x9e: {  	p0 =	sne.s32 s5, $0x1;
	_ =	swait.ge [sflag:s31], $0x8000  }
.Ltmp0:
0x9f: {  	[sflag:s31] =	ssyncset.done $0x0;
	(pc) =	sbr.rel @p0 .LBB2_1-.Ltmp0, $4  }
0xa0: {  	[sflag:s31] =	ssyncadd.s32 $0xFFFF8000  }
0xa1: {  	_ =	swait.ge [sflag:s1], $0x8000  }
0xa2: {  	[sflag:s1] =	ssyncset.done $0x0  }
0xa3: {  	s5 =	sadd.s32 $0xFFFFFFFF, s5;
	[sflag:s1] =	ssyncadd.s32 $0xFFFF8000  }
0xa4: {  	_ =	sfence.sel $0x180000  }
0xa5: {  	[bflag:$0x0] =	sbarrier.arrive $0xFFFF  }
0xa6: {  	_ =	strace $0x90000047  }
0xa7: {  	s0 =	stileid.u32;
	[bflag:$0x2] =	sbarrier.arrive $0xFFFF  }
0xa8: {  	p0 =	sne.s32 s0, $0x0;
	s0 =	rddreg [dreg:$0x2]  }
0xa9: {  	s0 =	sadd.s32 @!p0 $0x100000, s0  }
0xaa: {  	[sflag:s0] =	ssyncadd.tile.s32 @!p0 $0x1;
	_ =	shalt  }
.Lfunc_end2:
_tile_overlayer_lowered:
.L_overlay_start_2:
0xab: {  	(tag) =	ssettag $0x2  }
0xac: {  	s0 =	rddreg [dreg:$0x0];
	s2 =	stileid.u32  }
0xad: {  	s1 =	rddreg [dreg:$0x1];
	p0 =	sne.s32 s2, $0x0  }
0xae: {  	s3 =	rddreg [dreg:$0x2];
	[bflag:$0x3] =	sbarrier.arrive $0xFFFF;
	s2 =	simm.s32 @!p0 $0x1C05  }
0xaf: {  	[timem:s3], [sflag:s2] =	dma.local @!p0 [hbm:s0], s1  }
0xb0: {  	s0 =	simm.s32 @!p0 $0x5  }
0xb1: {  	_ =	swait.ge @!p0 [sflag:s0], s1  }
0xb2: {  	s1 =	ssub.s32 @!p0 $0x0, s1;
	[sflag:s0] =	ssyncset.done @!p0 $0x0  }
0xb3: {  	[sflag:s0] =	ssyncadd.s32 @!p0 s1  }
0xb4: {  	[bflag:$0x3] =	sbarrier.arrive $0xFFFF  }
0xb5: {  	_ =	shalt  }

</sc_bundles>
